<compile_context>
chip_gen: v7x
topology: tpu7x:2x2x1
jax: 0.10.2.dev20260603
libtpu: 0.0.44.dev20260713+nightly
codegen_flags: <defaults>
</compile_context>

<pallas_src>
import functools

import jax
import jax.numpy as jnp
from jax import lax
from jax.experimental import pallas as pl
from jax.experimental.pallas import tpu as pltpu
from jax.experimental.pallas import tpu_sc as plsc

_Q = 512
_NB = 128
_SHIFT = 25
_NW = 32
_CH = 8


def _monotone_key(x):
    i = lax.bitcast_convert_type(x, jnp.int32)
    flip = lax.shift_right_arithmetic(i, 31) & jnp.int32(0x7FFFFFFF)
    return i ^ flip



def _sc_hist_body(x_hbm, out_hbm, xbuf, hbuf):
    nc = 2
    wid = lax.axis_index("s") * nc + lax.axis_index("c")
    rows_per_worker = 16384 // _NW
    n_chunks = rows_per_worker // 16

    zeros16 = jnp.zeros((16,), jnp.int32)
    ones16 = jnp.ones((16,), jnp.int32)

    lane_iota = lax.iota(jnp.int32, 16)

    def chunk_body(ci, carry):
        g = wid * (rows_per_worker // 16) + ci
        pltpu.sync_copy(x_hbm.at[g], xbuf.at[:, :_Q])
        @plsc.parallel_loop(0, _NB // 8, carry=carry)
        def carry(j, c):
            for u in range(8):
                hbuf[pl.ds((j * 8 + u) * 16, 16)] = zeros16
            return c
        @plsc.parallel_loop(0, _Q // 8, carry=carry)
        def carry(p, c):
            for u in range(8):
                xv = plsc.load_gather(xbuf, [lane_iota, jnp.full((16,), 0, jnp.int32) + (p * 8 + u)])
                key = _monotone_key(xv)
                b = lax.shift_right_arithmetic(key, _SHIFT) + jnp.int32(_NB // 2)
                plsc.addupdate_scatter(hbuf, [b * 16 + lax.iota(jnp.int32, 16)],
                                       ones16)
            return c
        @plsc.parallel_loop(0, _NB // 8, carry=zeros16)
        def _run(j, run):
            for u in range(8):
                run = run + hbuf[pl.ds((j * 8 + u) * 16, 16)]
                hbuf[pl.ds((j * 8 + u) * 16, 16)] = run
            return run
        pltpu.sync_copy(hbuf, out_hbm.at[pl.ds(g * 16 * _NB, 16 * _NB)])
        return carry

    lax.fori_loop(0, n_chunks, chunk_body, jnp.int32(0))


def _sc_hist(x):
    B = x.shape[0]
    mesh = plsc.VectorSubcoreMesh(core_axis_name="c", subcore_axis_name="s")
    kern = functools.partial(
        pl.kernel,
        mesh=mesh,
        out_type=jax.ShapeDtypeStruct((B * _NB,), jnp.int32),
        scratch_types=[
            pltpu.VMEM((16, 513), jnp.float32),
            pltpu.VMEM((_NB * 16,), jnp.int32),
        ],
        compiler_params=pltpu.CompilerParams(needs_layout_passes=False),
    )(_sc_hist_body)
    out = kern(x.reshape(B // 16, 16, _Q)).reshape(B // 16, _NB, 16)
    return out.transpose(0, 2, 1).reshape(B, _NB)



def _mlp_kernel(x_ref, w1t_ref, w2t_ref, w3t_ref, k_ref):
    xb = x_ref[...]
    h = jnp.maximum(jnp.dot(xb, w1t_ref[...], preferred_element_type=jnp.float32), 0.0)
    h = jnp.maximum(jnp.dot(h, w2t_ref[...], preferred_element_type=jnp.float32), 0.0)
    scores = jnp.dot(h, w3t_ref[...], preferred_element_type=jnp.float32)
    k_ref[...] = (jnp.argmax(scores, axis=-1).astype(jnp.int32) + 1)[:, None]


def _mask_kernel(x_ref, cdf_ref, k_ref, wct_ref, o_ref):
    xb = x_ref[...]
    R, Q = xb.shape
    k = k_ref[...]
    keys = _monotone_key(xb)

    P = cdf_ref[...]
    bstar = jnp.sum((P <= (Q - k)).astype(jnp.int32), axis=-1, keepdims=True)

    lo0 = (bstar - jnp.int32(_NB // 2)) << _SHIFT
    hi0 = jnp.where(bstar == jnp.int32(_NB - 1),
                    jnp.int32(2147483647), lo0 + jnp.int32(1 << _SHIFT))

    def body(carry):
        lo, hi = carry
        mid = (lax.shift_right_arithmetic(lo, 1)
               + lax.shift_right_arithmetic(hi, 1)
               + (lo & hi & jnp.int32(1)))
        cnt = jnp.sum((keys >= mid).astype(jnp.int32), axis=-1, keepdims=True)
        pred = cnt >= k
        lo = jnp.where(pred, mid, lo)
        hi = jnp.where(pred, hi, mid)
        return lo, hi

    carry = (lo0, hi0)
    for _ in range(_SHIFT):
        carry = body(carry)
    t = carry[0]

    gt = keys > t
    eq = keys == t
    g = jnp.sum(gt.astype(jnp.int32), axis=-1, keepdims=True)

    eq_f = eq.astype(jnp.float32)
    jj = lax.broadcasted_iota(jnp.int32, (Q, Q), 0)
    ii = lax.broadcasted_iota(jnp.int32, (Q, Q), 1)
    strict_lower = (jj < ii).astype(jnp.float32)
    prefix = jnp.dot(eq_f, strict_lower, preferred_element_type=jnp.float32)
    prefix = prefix.astype(jnp.int32)

    mask = gt | (eq & ((g + prefix) < k))
    o_ref[...] = jnp.dot(mask.astype(jnp.float32), wct_ref[...],
                         preferred_element_type=jnp.float32)


@jax.jit
def kernel(x, W1, W2, W3, Wc):
    B, Q = x.shape
    D = Wc.shape[0]
    R = 1024

    w1t = W1.T
    w2t = W2.T
    w3t = W3.T
    wct = Wc.T

    cdf = _sc_hist(x)

    kvals = pl.pallas_call(
        _mlp_kernel,
        grid=(B // R,),
        in_specs=[
            pl.BlockSpec((R, Q), lambda i: (i, 0)),
            pl.BlockSpec((Q, 2 * Q), lambda i: (0, 0)),
            pl.BlockSpec((2 * Q, Q), lambda i: (0, 0)),
            pl.BlockSpec((Q, Q), lambda i: (0, 0)),
        ],
        out_specs=pl.BlockSpec((R, 1), lambda i: (i, 0)),
        out_shape=jax.ShapeDtypeStruct((B, 1), jnp.int32),
        compiler_params=pltpu.CompilerParams(
            dimension_semantics=("parallel",),
        ),
    )(x, w1t, w2t, w3t)

    out = pl.pallas_call(
        _mask_kernel,
        grid=(B // R,),
        in_specs=[
            pl.BlockSpec((R, Q), lambda i: (i, 0)),
            pl.BlockSpec((R, _NB), lambda i: (i, 0)),
            pl.BlockSpec((R, 1), lambda i: (i, 0)),
            pl.BlockSpec((Q, D), lambda i: (0, 0)),
        ],
        out_specs=pl.BlockSpec((R, D), lambda i: (i, 0)),
        out_shape=jax.ShapeDtypeStruct((B, D), jnp.float32),
        compiler_params=pltpu.CompilerParams(
            dimension_semantics=("parallel",),
        ),
    )(x, cdf, kvals, wct)
    return out

# --- scband reference (transcript-rebuilt; emitter-appended) ---
"""Pipeline reference for scband-dyn-kquantizer2-33389075759173 (READ-ONLY COPY).

The authoritative reference and input builder live on the scoring server;
editing this copy changes nothing except your own understanding.
"""

import jax, jax.numpy as jnp
import numpy as np


def _dyn_k_hot_fwd(x, k_scores):
    # k_indices = argmax(k_scores) + 1
    k_values = jnp.argmax(k_scores, axis=-1, keepdims=True) + 1
    # descending argsort of x
    sorted_indices = jnp.argsort(-x, axis=-1)
    Q = x.shape[-1]
    k_range = jnp.broadcast_to(jnp.arange(Q), x.shape)
    k_hot_mask = (k_range < k_values).astype(x.dtype)
    inv = jnp.argsort(sorted_indices, axis=-1)
    k_hot = jnp.take_along_axis(k_hot_mask, inv, axis=-1)
    return k_hot


def setup_inputs(seed: int = 0) -> dict:
    key = jax.random.key(seed)
    ks = jax.random.split(key, 5)
    B, Q, D = 16384, 512, 64
    x = jax.random.normal(ks[0], (B, Q), dtype=jnp.float32)
    # nn.Linear weights: W has shape [out_features, in_features]
    W1 = jax.random.normal(ks[1], (2 * Q, Q), dtype=jnp.float32) / np.sqrt(Q)
    W2 = jax.random.normal(ks[2], (Q, 2 * Q), dtype=jnp.float32) / np.sqrt(2 * Q)
    W3 = jax.random.normal(ks[3], (Q, Q), dtype=jnp.float32) / np.sqrt(Q)
    Wc = jax.random.normal(ks[4], (D, Q), dtype=jnp.float32) / np.sqrt(Q)
    return {"x": x, "W1": W1, "W2": W2, "W3": W3, "Wc": Wc}


def reference(x, W1, W2, W3, Wc):
    # dynkselector: Linear -> ReLU -> Linear -> ReLU -> Linear (all bias-free)
    h = jax.nn.relu(x @ W1.T)
    h = jax.nn.relu(h @ W2.T)
    k_scores = h @ W3.T
    k_hot = _dyn_k_hot_fwd(x, k_scores)
    # codebook: Linear(quant_dim -> embed_dim, bias=False)
    return k_hot @ Wc.T

if __name__ == "__main__":
    import jax
    _d = setup_inputs()
    print(jax.jit(kernel)(*tuple(_d.values())))

</pallas_src>

<mosaic_0001>
#map = affine_map<(d0, d1) -> (0, 0, 0)>
#map1 = affine_map<(d0, d1) -> (0)>
module attributes {stable_mosaic.version = 14 : i64} {
  func.func @_sc_hist_body(%arg0: i32, %arg1: i32, %arg2: memref<1024x16x512xf32, #tpu.memory_space<hbm>>, %arg3: memref<2097152xi32, #tpu.memory_space<hbm>>, %arg4: memref<16x513xf32, #tpu.memory_space<vmem>>, %arg5: memref<2048xi32, #tpu.memory_space<vmem>>) attributes {dimension_semantics = [#tpu.dimension_semantics<core_parallel>, #tpu.dimension_semantics<subcore_parallel>], iteration_bounds = array<i64: 2, 16>, scalar_prefetch = 0 : i64, scratch_operands = 2 : i64, tpu.core_type = #tpu.core_type<sc_vector_subcore>, window_params = [{transform_indices = #map}, {transform_indices = #map1}]} {
    %mul3A = arith.constant 2 : i32
    %mul3A_0 = arith.muli %arg1, %mul3A : i32
    %add3A = arith.addi %mul3A_0, %arg0 : i32
    %broadcast_in_dim3A = arith.constant 0 : i32
    %broadcast_in_dim3A_1 = vector.broadcast %broadcast_in_dim3A : i32 to vector<16xi32>
    %broadcast_in_dim3A_2 = arith.constant 1 : i32
    %broadcast_in_dim3A_3 = vector.broadcast %broadcast_in_dim3A_2 : i32 to vector<16xi32>
    %iota3A = tpu.iota {dimensions = array<i32: 0>} : vector<16xi32>
    %scan3A = arith.constant 0 : i32
    %scan3A_4 = arith.constant 0 : i32
    %scan3A_5 = arith.constant 32 : i32
    %scan3A_6 = arith.addi %scan3A_4, %scan3A_5 : i32
    %scan3A_7 = arith.constant 1 : i32
    %scan3A_8 = scf.for %scan3A_10 = %scan3A_4 to %scan3A_6 step %scan3A_7 iter_args(%scan3A_11 = %scan3A) -> (i32)  : i32 {
      %mul3A_12 = arith.constant 32 : i32
      %mul3A_13 = arith.muli %add3A, %mul3A_12 : i32
      %add3A_14 = arith.addi %mul3A_13, %scan3A_10 : i32
      "tpu.region"() ({
        %run_scoped3A = tpu.sem_alloc : memref<!tpu.dma_semaphore, #tpu.memory_space<semaphore_mem>>
        %dma_start3A = arith.constant 0 : i32
        %dma_start3A_30 = arith.constant 0 : i32
        %dma_start3A_31 = tpu.memref_slice %arg4[%dma_start3A, %dma_start3A_30] : memref<16x513xf32, #tpu.memory_space<vmem>> -> memref<16x512xf32, #tpu.memory_space<vmem>>
        %dma_start3A_32 = arith.constant 0 : i32
        %dma_start3A_33 = arith.constant 0 : i32
        %dma_start3A_34 = tpu.memref_slice %arg2[%add3A_14, %dma_start3A_32, %dma_start3A_33] : memref<1024x16x512xf32, #tpu.memory_space<hbm>> -> memref<1x16x512xf32, #tpu.memory_space<hbm>>
        %dma_start3A_35 = tpu.memref_squeeze %dma_start3A_34 : memref<1x16x512xf32, #tpu.memory_space<hbm>> -> memref<16x512xf32, #tpu.memory_space<hbm>>
        %dma_start3A_36 = arith.constant 0 : i32
        %dma_start3A_37 = arith.constant 0 : i32
        %dma_start3A_38 = tpu.memref_slice %arg4[%dma_start3A_36, %dma_start3A_37] : memref<16x513xf32, #tpu.memory_space<vmem>> -> memref<16x512xf32, #tpu.memory_space<vmem>>
        %dma_start3A_39 = arith.constant 0 : i32
        %dma_start3A_40 = arith.constant 0 : i32
        %dma_start3A_41 = tpu.memref_slice %arg2[%add3A_14, %dma_start3A_39, %dma_start3A_40] : memref<1024x16x512xf32, #tpu.memory_space<hbm>> -> memref<1x16x512xf32, #tpu.memory_space<hbm>>
        %dma_start3A_42 = tpu.memref_squeeze %dma_start3A_41 : memref<1x16x512xf32, #tpu.memory_space<hbm>> -> memref<16x512xf32, #tpu.memory_space<hbm>>
        tpu.enqueue_dma source(%dma_start3A_42 : memref<16x512xf32, #tpu.memory_space<hbm>>) target(%dma_start3A_38 : memref<16x512xf32, #tpu.memory_space<vmem>>) target_semaphore(%run_scoped3A : memref<!tpu.dma_semaphore, #tpu.memory_space<semaphore_mem>>)
        %dma_wait3A = arith.constant 0 : i32
        %dma_wait3A_43 = arith.constant 0 : i32
        %dma_wait3A_44 = tpu.memref_slice %arg4[%dma_wait3A, %dma_wait3A_43] : memref<16x513xf32, #tpu.memory_space<vmem>> -> memref<16x512xf32, #tpu.memory_space<vmem>>
        %dma_wait3A_45 = arith.constant 0 : i32
        %dma_wait3A_46 = arith.constant 0 : i32
        %dma_wait3A_47 = tpu.memref_slice %arg2[%add3A_14, %dma_wait3A_45, %dma_wait3A_46] : memref<1024x16x512xf32, #tpu.memory_space<hbm>> -> memref<1x16x512xf32, #tpu.memory_space<hbm>>
        %dma_wait3A_48 = tpu.memref_squeeze %dma_wait3A_47 : memref<1x16x512xf32, #tpu.memory_space<hbm>> -> memref<16x512xf32, #tpu.memory_space<hbm>>
        %dma_wait3A_49 = arith.constant 0 : i32
        %dma_wait3A_50 = arith.constant 0 : i32
        %dma_wait3A_51 = tpu.memref_slice %arg4[%dma_wait3A_49, %dma_wait3A_50] : memref<16x513xf32, #tpu.memory_space<vmem>> -> memref<16x512xf32, #tpu.memory_space<vmem>>
        %dma_wait3A_52 = arith.constant 0 : i32
        %dma_wait3A_53 = arith.constant 0 : i32
        %dma_wait3A_54 = tpu.memref_slice %arg2[%add3A_14, %dma_wait3A_52, %dma_wait3A_53] : memref<1024x16x512xf32, #tpu.memory_space<hbm>> -> memref<1x16x512xf32, #tpu.memory_space<hbm>>
        %dma_wait3A_55 = tpu.memref_squeeze %dma_wait3A_54 : memref<1x16x512xf32, #tpu.memory_space<hbm>> -> memref<16x512xf32, #tpu.memory_space<hbm>>
        tpu.wait_dma2 semaphore(%run_scoped3A : memref<!tpu.dma_semaphore, #tpu.memory_space<semaphore_mem>>) src(%dma_wait3A_55 : memref<16x512xf32, #tpu.memory_space<hbm>>) dst(%dma_wait3A_51 : memref<16x512xf32, #tpu.memory_space<vmem>>)
        tpu.yield
      }) : () -> ()
      %parallel_loop3A = arith.constant 0 : i32
      %parallel_loop3A_15 = arith.constant 16 : i32
      %parallel_loop3A_16 = arith.constant 1 : i32
      %parallel_loop3A_17 = scf.for %parallel_loop3A_30 = %parallel_loop3A to %parallel_loop3A_15 step %parallel_loop3A_16 iter_args(%parallel_loop3A_31 = %scan3A_11) -> (i32)  : i32 {
        %parallel_loop3A_32 = arith.constant 8 : i32
        %parallel_loop3A_33 = arith.muli %parallel_loop3A_30, %parallel_loop3A_32 : i32
        %parallel_loop3A_34 = arith.constant 0 : i32
        %parallel_loop3A_35 = arith.addi %parallel_loop3A_33, %parallel_loop3A_34 : i32
        %parallel_loop3A_36 = arith.constant 16 : i32
        %parallel_loop3A_37 = arith.muli %parallel_loop3A_35, %parallel_loop3A_36 : i32
        %parallel_loop3A_38 = arith.index_cast %parallel_loop3A_37 : i32 to index
        %parallel_loop3A_39 = tpu.vector_load %arg5[%parallel_loop3A_38] {strides = array<i32>} : memref<2048xi32, #tpu.memory_space<vmem>>, vector<16xi32>,
        tpu.vector_store %arg5[%parallel_loop3A_38], %broadcast_in_dim3A_1 {strides = array<i32>} : memref<2048xi32, #tpu.memory_space<vmem>>, vector<16xi32>,
        %parallel_loop3A_40 = arith.constant 8 : i32
        %parallel_loop3A_41 = arith.muli %parallel_loop3A_30, %parallel_loop3A_40 : i32
        %parallel_loop3A_42 = arith.constant 1 : i32
        %parallel_loop3A_43 = arith.addi %parallel_loop3A_41, %parallel_loop3A_42 : i32
        %parallel_loop3A_44 = arith.constant 16 : i32
        %parallel_loop3A_45 = arith.muli %parallel_loop3A_43, %parallel_loop3A_44 : i32
        %parallel_loop3A_46 = arith.index_cast %parallel_loop3A_45 : i32 to index
        %parallel_loop3A_47 = tpu.vector_load %arg5[%parallel_loop3A_46] {strides = array<i32>} : memref<2048xi32, #tpu.memory_space<vmem>>, vector<16xi32>,
        tpu.vector_store %arg5[%parallel_loop3A_46], %broadcast_in_dim3A_1 {strides = array<i32>} : memref<2048xi32, #tpu.memory_space<vmem>>, vector<16xi32>,
        %parallel_loop3A_48 = arith.constant 8 : i32
        %parallel_loop3A_49 = arith.muli %parallel_loop3A_30, %parallel_loop3A_48 : i32
        %parallel_loop3A_50 = arith.constant 2 : i32
        %parallel_loop3A_51 = arith.addi %parallel_loop3A_49, %parallel_loop3A_50 : i32
        %parallel_loop3A_52 = arith.constant 16 : i32
        %parallel_loop3A_53 = arith.muli %parallel_loop3A_51, %parallel_loop3A_52 : i32
        %parallel_loop3A_54 = arith.index_cast %parallel_loop3A_53 : i32 to index
        %parallel_loop3A_55 = tpu.vector_load %arg5[%parallel_loop3A_54] {strides = array<i32>} : memref<2048xi32, #tpu.memory_space<vmem>>, vector<16xi32>,
        tpu.vector_store %arg5[%parallel_loop3A_54], %broadcast_in_dim3A_1 {strides = array<i32>} : memref<2048xi32, #tpu.memory_space<vmem>>, vector<16xi32>,
        %parallel_loop3A_56 = arith.constant 8 : i32
        %parallel_loop3A_57 = arith.muli %parallel_loop3A_30, %parallel_loop3A_56 : i32
        %parallel_loop3A_58 = arith.constant 3 : i32
        %parallel_loop3A_59 = arith.addi %parallel_loop3A_57, %parallel_loop3A_58 : i32
        %parallel_loop3A_60 = arith.constant 16 : i32
        %parallel_loop3A_61 = arith.muli %parallel_loop3A_59, %parallel_loop3A_60 : i32
        %parallel_loop3A_62 = arith.index_cast %parallel_loop3A_61 : i32 to index
        %parallel_loop3A_63 = tpu.vector_load %arg5[%parallel_loop3A_62] {strides = array<i32>} : memref<2048xi32, #tpu.memory_space<vmem>>, vector<16xi32>,
        tpu.vector_store %arg5[%parallel_loop3A_62], %broadcast_in_dim3A_1 {strides = array<i32>} : memref<2048xi32, #tpu.memory_space<vmem>>, vector<16xi32>,
        %parallel_loop3A_64 = arith.constant 8 : i32
        %parallel_loop3A_65 = arith.muli %parallel_loop3A_30, %parallel_loop3A_64 : i32
        %parallel_loop3A_66 = arith.constant 4 : i32
        %parallel_loop3A_67 = arith.addi %parallel_loop3A_65, %parallel_loop3A_66 : i32
        %parallel_loop3A_68 = arith.constant 16 : i32
        %parallel_loop3A_69 = arith.muli %parallel_loop3A_67, %parallel_loop3A_68 : i32
        %parallel_loop3A_70 = arith.index_cast %parallel_loop3A_69 : i32 to index
        %parallel_loop3A_71 = tpu.vector_load %arg5[%parallel_loop3A_70] {strides = array<i32>} : memref<2048xi32, #tpu.memory_space<vmem>>, vector<16xi32>,
        tpu.vector_store %arg5[%parallel_loop3A_70], %broadcast_in_dim3A_1 {strides = array<i32>} : memref<2048xi32, #tpu.memory_space<vmem>>, vector<16xi32>,
        %parallel_loop3A_72 = arith.constant 8 : i32
        %parallel_loop3A_73 = arith.muli %parallel_loop3A_30, %parallel_loop3A_72 : i32
        %parallel_loop3A_74 = arith.constant 5 : i32
        %parallel_loop3A_75 = arith.addi %parallel_loop3A_73, %parallel_loop3A_74 : i32
        %parallel_loop3A_76 = arith.constant 16 : i32
        %parallel_loop3A_77 = arith.muli %parallel_loop3A_75, %parallel_loop3A_76 : i32
        %parallel_loop3A_78 = arith.index_cast %parallel_loop3A_77 : i32 to index
        %parallel_loop3A_79 = tpu.vector_load %arg5[%parallel_loop3A_78] {strides = array<i32>} : memref<2048xi32, #tpu.memory_space<vmem>>, vector<16xi32>,
        tpu.vector_store %arg5[%parallel_loop3A_78], %broadcast_in_dim3A_1 {strides = array<i32>} : memref<2048xi32, #tpu.memory_space<vmem>>, vector<16xi32>,
        %parallel_loop3A_80 = arith.constant 8 : i32
        %parallel_loop3A_81 = arith.muli %parallel_loop3A_30, %parallel_loop3A_80 : i32
        %parallel_loop3A_82 = arith.constant 6 : i32
        %parallel_loop3A_83 = arith.addi %parallel_loop3A_81, %parallel_loop3A_82 : i32
        %parallel_loop3A_84 = arith.constant 16 : i32
        %parallel_loop3A_85 = arith.muli %parallel_loop3A_83, %parallel_loop3A_84 : i32
        %parallel_loop3A_86 = arith.index_cast %parallel_loop3A_85 : i32 to index
        %parallel_loop3A_87 = tpu.vector_load %arg5[%parallel_loop3A_86] {strides = array<i32>} : memref<2048xi32, #tpu.memory_space<vmem>>, vector<16xi32>,
        tpu.vector_store %arg5[%parallel_loop3A_86], %broadcast_in_dim3A_1 {strides = array<i32>} : memref<2048xi32, #tpu.memory_space<vmem>>, vector<16xi32>,
        %parallel_loop3A_88 = arith.constant 8 : i32
        %parallel_loop3A_89 = arith.muli %parallel_loop3A_30, %parallel_loop3A_88 : i32
        %parallel_loop3A_90 = arith.constant 7 : i32
        %parallel_loop3A_91 = arith.addi %parallel_loop3A_89, %parallel_loop3A_90 : i32
        %parallel_loop3A_92 = arith.constant 16 : i32
        %parallel_loop3A_93 = arith.muli %parallel_loop3A_91, %parallel_loop3A_92 : i32
        %parallel_loop3A_94 = arith.index_cast %parallel_loop3A_93 : i32 to index
        %parallel_loop3A_95 = tpu.vector_load %arg5[%parallel_loop3A_94] {strides = array<i32>} : memref<2048xi32, #tpu.memory_space<vmem>>, vector<16xi32>,
        tpu.vector_store %arg5[%parallel_loop3A_94], %broadcast_in_dim3A_1 {strides = array<i32>} : memref<2048xi32, #tpu.memory_space<vmem>>, vector<16xi32>,
        scf.yield %parallel_loop3A_31 : i32
      } {sc.loop_unroll_factor = 1 : i64, sc.parallel_access}
      %parallel_loop3A_18 = arith.constant 0 : i32
      %parallel_loop3A_19 = arith.constant 64 : i32
      %parallel_loop3A_20 = arith.constant 1 : i32
      %parallel_loop3A_21 = scf.for %parallel_loop3A_30 = %parallel_loop3A_18 to %parallel_loop3A_19 step %parallel_loop3A_20 iter_args(%parallel_loop3A_31 = %parallel_loop3A_17) -> (i32)  : i32 {
        %parallel_loop3A_32 = arith.constant 0 : i32
        %parallel_loop3A_33 = vector.broadcast %parallel_loop3A_32 : i32 to vector<16xi32>
        %parallel_loop3A_34 = arith.constant 8 : i32
        %parallel_loop3A_35 = arith.muli %parallel_loop3A_30, %parallel_loop3A_34 : i32
        %parallel_loop3A_36 = arith.constant 0 : i32
        %parallel_loop3A_37 = arith.addi %parallel_loop3A_35, %parallel_loop3A_36 : i32
        %parallel_loop3A_38 = vector.broadcast %parallel_loop3A_37 : i32 to vector<16xi32>
        %parallel_loop3A_39 = arith.addi %parallel_loop3A_33, %parallel_loop3A_38 : vector<16xi32>
        %parallel_loop3A_40 = tpu.vector_load_idx %arg4[%iota3A, %parallel_loop3A_39] : memref<16x513xf32, #tpu.memory_space<vmem>>[vector<16xi32>, vector<16xi32>], vector<16xf32>,
        %parallel_loop3A_41 = tpu.bitcast %parallel_loop3A_40 : vector<16xf32> -> vector<16xi32>
        %parallel_loop3A_42 = arith.constant 31 : i32
        %parallel_loop3A_43 = vector.broadcast %parallel_loop3A_42 : i32 to vector<16xi32>
        %parallel_loop3A_44 = arith.shrsi %parallel_loop3A_41, %parallel_loop3A_43 : vector<16xi32>
        %parallel_loop3A_45 = arith.constant 2147483647 : i32
        %parallel_loop3A_46 = vector.broadcast %parallel_loop3A_45 : i32 to vector<16xi32>
        %parallel_loop3A_47 = arith.andi %parallel_loop3A_44, %parallel_loop3A_46 : vector<16xi32>
        %parallel_loop3A_48 = arith.xori %parallel_loop3A_41, %parallel_loop3A_47 : vector<16xi32>
        %parallel_loop3A_49 = arith.constant 25 : i32
        %parallel_loop3A_50 = vector.broadcast %parallel_loop3A_49 : i32 to vector<16xi32>
        %parallel_loop3A_51 = arith.shrsi %parallel_loop3A_48, %parallel_loop3A_50 : vector<16xi32>
        %parallel_loop3A_52 = arith.constant 64 : i32
        %parallel_loop3A_53 = vector.broadcast %parallel_loop3A_52 : i32 to vector<16xi32>
        %parallel_loop3A_54 = arith.addi %parallel_loop3A_51, %parallel_loop3A_53 : vector<16xi32>
        %parallel_loop3A_55 = arith.constant 16 : i32
        %parallel_loop3A_56 = vector.broadcast %parallel_loop3A_55 : i32 to vector<16xi32>
        %parallel_loop3A_57 = arith.muli %parallel_loop3A_54, %parallel_loop3A_56 : vector<16xi32>
        %parallel_loop3A_58 = tpu.iota {dimensions = array<i32: 0>} : vector<16xi32>
        %parallel_loop3A_59 = arith.addi %parallel_loop3A_57, %parallel_loop3A_58 : vector<16xi32>
        tpu.vector_store_idx %arg5[%parallel_loop3A_59], %broadcast_in_dim3A_3 {add = true} : memref<2048xi32, #tpu.memory_space<vmem>>[vector<16xi32>], vector<16xi32>,
        %parallel_loop3A_60 = arith.constant 0 : i32
        %parallel_loop3A_61 = vector.broadcast %parallel_loop3A_60 : i32 to vector<16xi32>
        %parallel_loop3A_62 = arith.constant 8 : i32
        %parallel_loop3A_63 = arith.muli %parallel_loop3A_30, %parallel_loop3A_62 : i32
        %parallel_loop3A_64 = arith.constant 1 : i32
        %parallel_loop3A_65 = arith.addi %parallel_loop3A_63, %parallel_loop3A_64 : i32
        %parallel_loop3A_66 = vector.broadcast %parallel_loop3A_65 : i32 to vector<16xi32>
        %parallel_loop3A_67 = arith.addi %parallel_loop3A_61, %parallel_loop3A_66 : vector<16xi32>
        %parallel_loop3A_68 = tpu.vector_load_idx %arg4[%iota3A, %parallel_loop3A_67] : memref<16x513xf32, #tpu.memory_space<vmem>>[vector<16xi32>, vector<16xi32>], vector<16xf32>,
        %parallel_loop3A_69 = tpu.bitcast %parallel_loop3A_68 : vector<16xf32> -> vector<16xi32>
        %parallel_loop3A_70 = arith.constant 31 : i32
        %parallel_loop3A_71 = vector.broadcast %parallel_loop3A_70 : i32 to vector<16xi32>
        %parallel_loop3A_72 = arith.shrsi %parallel_loop3A_69, %parallel_loop3A_71 : vector<16xi32>
        %parallel_loop3A_73 = arith.constant 2147483647 : i32
        %parallel_loop3A_74 = vector.broadcast %parallel_loop3A_73 : i32 to vector<16xi32>
        %parallel_loop3A_75 = arith.andi %parallel_loop3A_72, %parallel_loop3A_74 : vector<16xi32>
        %parallel_loop3A_76 = arith.xori %parallel_loop3A_69, %parallel_loop3A_75 : vector<16xi32>
        %parallel_loop3A_77 = arith.constant 25 : i32
        %parallel_loop3A_78 = vector.broadcast %parallel_loop3A_77 : i32 to vector<16xi32>
        %parallel_loop3A_79 = arith.shrsi %parallel_loop3A_76, %parallel_loop3A_78 : vector<16xi32>
        %parallel_loop3A_80 = arith.constant 64 : i32
        %parallel_loop3A_81 = vector.broadcast %parallel_loop3A_80 : i32 to vector<16xi32>
        %parallel_loop3A_82 = arith.addi %parallel_loop3A_79, %parallel_loop3A_81 : vector<16xi32>
        %parallel_loop3A_83 = arith.constant 16 : i32
        %parallel_loop3A_84 = vector.broadcast %parallel_loop3A_83 : i32 to vector<16xi32>
        %parallel_loop3A_85 = arith.muli %parallel_loop3A_82, %parallel_loop3A_84 : vector<16xi32>
        %parallel_loop3A_86 = tpu.iota {dimensions = array<i32: 0>} : vector<16xi32>
        %parallel_loop3A_87 = arith.addi %parallel_loop3A_85, %parallel_loop3A_86 : vector<16xi32>
        tpu.vector_store_idx %arg5[%parallel_loop3A_87], %broadcast_in_dim3A_3 {add = true} : memref<2048xi32, #tpu.memory_space<vmem>>[vector<16xi32>], vector<16xi32>,
        %parallel_loop3A_88 = arith.constant 0 : i32
        %parallel_loop3A_89 = vector.broadcast %parallel_loop3A_88 : i32 to vector<16xi32>
        %parallel_loop3A_90 = arith.constant 8 : i32
        %parallel_loop3A_91 = arith.muli %parallel_loop3A_30, %parallel_loop3A_90 : i32
        %parallel_loop3A_92 = arith.constant 2 : i32
        %parallel_loop3A_93 = arith.addi %parallel_loop3A_91, %parallel_loop3A_92 : i32
        %parallel_loop3A_94 = vector.broadcast %parallel_loop3A_93 : i32 to vector<16xi32>
        %parallel_loop3A_95 = arith.addi %parallel_loop3A_89, %parallel_loop3A_94 : vector<16xi32>
        %parallel_loop3A_96 = tpu.vector_load_idx %arg4[%iota3A, %parallel_loop3A_95] : memref<16x513xf32, #tpu.memory_space<vmem>>[vector<16xi32>, vector<16xi32>], vector<16xf32>,
        %parallel_loop3A_97 = tpu.bitcast %parallel_loop3A_96 : vector<16xf32> -> vector<16xi32>
        %parallel_loop3A_98 = arith.constant 31 : i32
        %parallel_loop3A_99 = vector.broadcast %parallel_loop3A_98 : i32 to vector<16xi32>
        %parallel_loop3A_100 = arith.shrsi %parallel_loop3A_97, %parallel_loop3A_99 : vector<16xi32>
        %parallel_loop3A_101 = arith.constant 2147483647 : i32
        %parallel_loop3A_102 = vector.broadcast %parallel_loop3A_101 : i32 to vector<16xi32>
        %parallel_loop3A_103 = arith.andi %parallel_loop3A_100, %parallel_loop3A_102 : vector<16xi32>
        %parallel_loop3A_104 = arith.xori %parallel_loop3A_97, %parallel_loop3A_103 : vector<16xi32>
        %parallel_loop3A_105 = arith.constant 25 : i32
        %parallel_loop3A_106 = vector.broadcast %parallel_loop3A_105 : i32 to vector<16xi32>
        %parallel_loop3A_107 = arith.shrsi %parallel_loop3A_104, %parallel_loop3A_106 : vector<16xi32>
        %parallel_loop3A_108 = arith.constant 64 : i32
        %parallel_loop3A_109 = vector.broadcast %parallel_loop3A_108 : i32 to vector<16xi32>
        %parallel_loop3A_110 = arith.addi %parallel_loop3A_107, %parallel_loop3A_109 : vector<16xi32>
        %parallel_loop3A_111 = arith.constant 16 : i32
        %parallel_loop3A_112 = vector.broadcast %parallel_loop3A_111 : i32 to vector<16xi32>
        %parallel_loop3A_113 = arith.muli %parallel_loop3A_110, %parallel_loop3A_112 : vector<16xi32>
        %parallel_loop3A_114 = tpu.iota {dimensions = array<i32: 0>} : vector<16xi32>
        %parallel_loop3A_115 = arith.addi %parallel_loop3A_113, %parallel_loop3A_114 : vector<16xi32>
        tpu.vector_store_idx %arg5[%parallel_loop3A_115], %broadcast_in_dim3A_3 {add = true} : memref<2048xi32, #tpu.memory_space<vmem>>[vector<16xi32>], vector<16xi32>,
        %parallel_loop3A_116 = arith.constant 0 : i32
        %parallel_loop3A_117 = vector.broadcast %parallel_loop3A_116 : i32 to vector<16xi32>
        %parallel_loop3A_118 = arith.constant 8 : i32
        %parallel_loop3A_119 = arith.muli %parallel_loop3A_30, %parallel_loop3A_118 : i32
        %parallel_loop3A_120 = arith.constant 3 : i32
        %parallel_loop3A_121 = arith.addi %parallel_loop3A_119, %parallel_loop3A_120 : i32
        %parallel_loop3A_122 = vector.broadcast %parallel_loop3A_121 : i32 to vector<16xi32>
        %parallel_loop3A_123 = arith.addi %parallel_loop3A_117, %parallel_loop3A_122 : vector<16xi32>
        %parallel_loop3A_124 = tpu.vector_load_idx %arg4[%iota3A, %parallel_loop3A_123] : memref<16x513xf32, #tpu.memory_space<vmem>>[vector<16xi32>, vector<16xi32>], vector<16xf32>,
        %parallel_loop3A_125 = tpu.bitcast %parallel_loop3A_124 : vector<16xf32> -> vector<16xi32>
        %parallel_loop3A_126 = arith.constant 31 : i32
        %parallel_loop3A_127 = vector.broadcast %parallel_loop3A_126 : i32 to vector<16xi32>
        %parallel_loop3A_128 = arith.shrsi %parallel_loop3A_125, %parallel_loop3A_127 : vector<16xi32>
        %parallel_loop3A_129 = arith.constant 2147483647 : i32
        %parallel_loop3A_130 = vector.broadcast %parallel_loop3A_129 : i32 to vector<16xi32>
        %parallel_loop3A_131 = arith.andi %parallel_loop3A_128, %parallel_loop3A_130 : vector<16xi32>
        %parallel_loop3A_132 = arith.xori %parallel_loop3A_125, %parallel_loop3A_131 : vector<16xi32>
        %parallel_loop3A_133 = arith.constant 25 : i32
        %parallel_loop3A_134 = vector.broadcast %parallel_loop3A_133 : i32 to vector<16xi32>
        %parallel_loop3A_135 = arith.shrsi %parallel_loop3A_132, %parallel_loop3A_134 : vector<16xi32>
        %parallel_loop3A_136 = arith.constant 64 : i32
        %parallel_loop3A_137 = vector.broadcast %parallel_loop3A_136 : i32 to vector<16xi32>
        %parallel_loop3A_138 = arith.addi %parallel_loop3A_135, %parallel_loop3A_137 : vector<16xi32>
        %parallel_loop3A_139 = arith.constant 16 : i32
        %parallel_loop3A_140 = vector.broadcast %parallel_loop3A_139 : i32 to vector<16xi32>
        %parallel_loop3A_141 = arith.muli %parallel_loop3A_138, %parallel_loop3A_140 : vector<16xi32>
        %parallel_loop3A_142 = tpu.iota {dimensions = array<i32: 0>} : vector<16xi32>
        %parallel_loop3A_143 = arith.addi %parallel_loop3A_141, %parallel_loop3A_142 : vector<16xi32>
        tpu.vector_store_idx %arg5[%parallel_loop3A_143], %broadcast_in_dim3A_3 {add = true} : memref<2048xi32, #tpu.memory_space<vmem>>[vector<16xi32>], vector<16xi32>,
        %parallel_loop3A_144 = arith.constant 0 : i32
        %parallel_loop3A_145 = vector.broadcast %parallel_loop3A_144 : i32 to vector<16xi32>
        %parallel_loop3A_146 = arith.constant 8 : i32
        %parallel_loop3A_147 = arith.muli %parallel_loop3A_30, %parallel_loop3A_146 : i32
        %parallel_loop3A_148 = arith.constant 4 : i32
        %parallel_loop3A_149 = arith.addi %parallel_loop3A_147, %parallel_loop3A_148 : i32
        %parallel_loop3A_150 = vector.broadcast %parallel_loop3A_149 : i32 to vector<16xi32>
        %parallel_loop3A_151 = arith.addi %parallel_loop3A_145, %parallel_loop3A_150 : vector<16xi32>
        %parallel_loop3A_152 = tpu.vector_load_idx %arg4[%iota3A, %parallel_loop3A_151] : memref<16x513xf32, #tpu.memory_space<vmem>>[vector<16xi32>, vector<16xi32>], vector<16xf32>,
        %parallel_loop3A_153 = tpu.bitcast %parallel_loop3A_152 : vector<16xf32> -> vector<16xi32>
        %parallel_loop3A_154 = arith.constant 31 : i32
        %parallel_loop3A_155 = vector.broadcast %parallel_loop3A_154 : i32 to vector<16xi32>
        %parallel_loop3A_156 = arith.shrsi %parallel_loop3A_153, %parallel_loop3A_155 : vector<16xi32>
        %parallel_loop3A_157 = arith.constant 2147483647 : i32
        %parallel_loop3A_158 = vector.broadcast %parallel_loop3A_157 : i32 to vector<16xi32>
        %parallel_loop3A_159 = arith.andi %parallel_loop3A_156, %parallel_loop3A_158 : vector<16xi32>
        %parallel_loop3A_160 = arith.xori %parallel_loop3A_153, %parallel_loop3A_159 : vector<16xi32>
        %parallel_loop3A_161 = arith.constant 25 : i32
        %parallel_loop3A_162 = vector.broadcast %parallel_loop3A_161 : i32 to vector<16xi32>
        %parallel_loop3A_163 = arith.shrsi %parallel_loop3A_160, %parallel_loop3A_162 : vector<16xi32>
        %parallel_loop3A_164 = arith.constant 64 : i32
        %parallel_loop3A_165 = vector.broadcast %parallel_loop3A_164 : i32 to vector<16xi32>
        %parallel_loop3A_166 = arith.addi %parallel_loop3A_163, %parallel_loop3A_165 : vector<16xi32>
        %parallel_loop3A_167 = arith.constant 16 : i32
        %parallel_loop3A_168 = vector.broadcast %parallel_loop3A_167 : i32 to vector<16xi32>
        %parallel_loop3A_169 = arith.muli %parallel_loop3A_166, %parallel_loop3A_168 : vector<16xi32>
        %parallel_loop3A_170 = tpu.iota {dimensions = array<i32: 0>} : vector<16xi32>
        %parallel_loop3A_171 = arith.addi %parallel_loop3A_169, %parallel_loop3A_170 : vector<16xi32>
        tpu.vector_store_idx %arg5[%parallel_loop3A_171], %broadcast_in_dim3A_3 {add = true} : memref<2048xi32, #tpu.memory_space<vmem>>[vector<16xi32>], vector<16xi32>,
        %parallel_loop3A_172 = arith.constant 0 : i32
        %parallel_loop3A_173 = vector.broadcast %parallel_loop3A_172 : i32 to vector<16xi32>
        %parallel_loop3A_174 = arith.constant 8 : i32
        %parallel_loop3A_175 = arith.muli %parallel_loop3A_30, %parallel_loop3A_174 : i32
        %parallel_loop3A_176 = arith.constant 5 : i32
        %parallel_loop3A_177 = arith.addi %parallel_loop3A_175, %parallel_loop3A_176 : i32
        %parallel_loop3A_178 = vector.broadcast %parallel_loop3A_177 : i32 to vector<16xi32>
        %parallel_loop3A_179 = arith.addi %parallel_loop3A_173, %parallel_loop3A_178 : vector<16xi32>
        %parallel_loop3A_180 = tpu.vector_load_idx %arg4[%iota3A, %parallel_loop3A_179] : memref<16x513xf32, #tpu.memory_space<vmem>>[vector<16xi32>, vector<16xi32>], vector<16xf32>,
        %parallel_loop3A_181 = tpu.bitcast %parallel_loop3A_180 : vector<16xf32> -> vector<16xi32>
        %parallel_loop3A_182 = arith.constant 31 : i32
        %parallel_loop3A_183 = vector.broadcast %parallel_loop3A_182 : i32 to vector<16xi32>
        %parallel_loop3A_184 = arith.shrsi %parallel_loop3A_181, %parallel_loop3A_183 : vector<16xi32>
        %parallel_loop3A_185 = arith.constant 2147483647 : i32
        %parallel_loop3A_186 = vector.broadcast %parallel_loop3A_185 : i32 to vector<16xi32>
        %parallel_loop3A_187 = arith.andi %parallel_loop3A_184, %parallel_loop3A_186 : vector<16xi32>
        %parallel_loop3A_188 = arith.xori %parallel_loop3A_181, %parallel_loop3A_187 : vector<16xi32>
        %parallel_loop3A_189 = arith.constant 25 : i32
        %parallel_loop3A_190 = vector.broadcast %parallel_loop3A_189 : i32 to vector<16xi32>
        %parallel_loop3A_191 = arith.shrsi %parallel_loop3A_188, %parallel_loop3A_190 : vector<16xi32>
        %parallel_loop3A_192 = arith.constant 64 : i32
        %parallel_loop3A_193 = vector.broadcast %parallel_loop3A_192 : i32 to vector<16xi32>
        %parallel_loop3A_194 = arith.addi %parallel_loop3A_191, %parallel_loop3A_193 : vector<16xi32>
        %parallel_loop3A_195 = arith.constant 16 : i32
        %parallel_loop3A_196 = vector.broadcast %parallel_loop3A_195 : i32 to vector<16xi32>
        %parallel_loop3A_197 = arith.muli %parallel_loop3A_194, %parallel_loop3A_196 : vector<16xi32>
        %parallel_loop3A_198 = tpu.iota {dimensions = array<i32: 0>} : vector<16xi32>
        %parallel_loop3A_199 = arith.addi %parallel_loop3A_197, %parallel_loop3A_198 : vector<16xi32>
        tpu.vector_store_idx %arg5[%parallel_loop3A_199], %broadcast_in_dim3A_3 {add = true} : memref<2048xi32, #tpu.memory_space<vmem>>[vector<16xi32>], vector<16xi32>,
        %parallel_loop3A_200 = arith.constant 0 : i32
        %parallel_loop3A_201 = vector.broadcast %parallel_loop3A_200 : i32 to vector<16xi32>
        %parallel_loop3A_202 = arith.constant 8 : i32
        %parallel_loop3A_203 = arith.muli %parallel_loop3A_30, %parallel_loop3A_202 : i32
        %parallel_loop3A_204 = arith.constant 6 : i32
        %parallel_loop3A_205 = arith.addi %parallel_loop3A_203, %parallel_loop3A_204 : i32
        %parallel_loop3A_206 = vector.broadcast %parallel_loop3A_205 : i32 to vector<16xi32>
        %parallel_loop3A_207 = arith.addi %parallel_loop3A_201, %parallel_loop3A_206 : vector<16xi32>
        %parallel_loop3A_208 = tpu.vector_load_idx %arg4[%iota3A, %parallel_loop3A_207] : memref<16x513xf32, #tpu.memory_space<vmem>>[vector<16xi32>, vector<16xi32>], vector<16xf32>,
        %parallel_loop3A_209 = tpu.bitcast %parallel_loop3A_208 : vector<16xf32> -> vector<16xi32>
        %parallel_loop3A_210 = arith.constant 31 : i32
        %parallel_loop3A_211 = vector.broadcast %parallel_loop3A_210 : i32 to vector<16xi32>
        %parallel_loop3A_212 = arith.shrsi %parallel_loop3A_209, %parallel_loop3A_211 : vector<16xi32>
        %parallel_loop3A_213 = arith.constant 2147483647 : i32
        %parallel_loop3A_214 = vector.broadcast %parallel_loop3A_213 : i32 to vector<16xi32>
        %parallel_loop3A_215 = arith.andi %parallel_loop3A_212, %parallel_loop3A_214 : vector<16xi32>
        %parallel_loop3A_216 = arith.xori %parallel_loop3A_209, %parallel_loop3A_215 : vector<16xi32>
        %parallel_loop3A_217 = arith.constant 25 : i32
        %parallel_loop3A_218 = vector.broadcast %parallel_loop3A_217 : i32 to vector<16xi32>
        %parallel_loop3A_219 = arith.shrsi %parallel_loop3A_216, %parallel_loop3A_218 : vector<16xi32>
        %parallel_loop3A_220 = arith.constant 64 : i32
        %parallel_loop3A_221 = vector.broadcast %parallel_loop3A_220 : i32 to vector<16xi32>
        %parallel_loop3A_222 = arith.addi %parallel_loop3A_219, %parallel_loop3A_221 : vector<16xi32>
        %parallel_loop3A_223 = arith.constant 16 : i32
        %parallel_loop3A_224 = vector.broadcast %parallel_loop3A_223 : i32 to vector<16xi32>
        %parallel_loop3A_225 = arith.muli %parallel_loop3A_222, %parallel_loop3A_224 : vector<16xi32>
        %parallel_loop3A_226 = tpu.iota {dimensions = array<i32: 0>} : vector<16xi32>
        %parallel_loop3A_227 = arith.addi %parallel_loop3A_225, %parallel_loop3A_226 : vector<16xi32>
        tpu.vector_store_idx %arg5[%parallel_loop3A_227], %broadcast_in_dim3A_3 {add = true} : memref<2048xi32, #tpu.memory_space<vmem>>[vector<16xi32>], vector<16xi32>,
        %parallel_loop3A_228 = arith.constant 0 : i32
        %parallel_loop3A_229 = vector.broadcast %parallel_loop3A_228 : i32 to vector<16xi32>
        %parallel_loop3A_230 = arith.constant 8 : i32
        %parallel_loop3A_231 = arith.muli %parallel_loop3A_30, %parallel_loop3A_230 : i32
        %parallel_loop3A_232 = arith.constant 7 : i32
        %parallel_loop3A_233 = arith.addi %parallel_loop3A_231, %parallel_loop3A_232 : i32
        %parallel_loop3A_234 = vector.broadcast %parallel_loop3A_233 : i32 to vector<16xi32>
        %parallel_loop3A_235 = arith.addi %parallel_loop3A_229, %parallel_loop3A_234 : vector<16xi32>
        %parallel_loop3A_236 = tpu.vector_load_idx %arg4[%iota3A, %parallel_loop3A_235] : memref<16x513xf32, #tpu.memory_space<vmem>>[vector<16xi32>, vector<16xi32>], vector<16xf32>,
        %parallel_loop3A_237 = tpu.bitcast %parallel_loop3A_236 : vector<16xf32> -> vector<16xi32>
        %parallel_loop3A_238 = arith.constant 31 : i32
        %parallel_loop3A_239 = vector.broadcast %parallel_loop3A_238 : i32 to vector<16xi32>
        %parallel_loop3A_240 = arith.shrsi %parallel_loop3A_237, %parallel_loop3A_239 : vector<16xi32>
        %parallel_loop3A_241 = arith.constant 2147483647 : i32
        %parallel_loop3A_242 = vector.broadcast %parallel_loop3A_241 : i32 to vector<16xi32>
        %parallel_loop3A_243 = arith.andi %parallel_loop3A_240, %parallel_loop3A_242 : vector<16xi32>
        %parallel_loop3A_244 = arith.xori %parallel_loop3A_237, %parallel_loop3A_243 : vector<16xi32>
        %parallel_loop3A_245 = arith.constant 25 : i32
        %parallel_loop3A_246 = vector.broadcast %parallel_loop3A_245 : i32 to vector<16xi32>
        %parallel_loop3A_247 = arith.shrsi %parallel_loop3A_244, %parallel_loop3A_246 : vector<16xi32>
        %parallel_loop3A_248 = arith.constant 64 : i32
        %parallel_loop3A_249 = vector.broadcast %parallel_loop3A_248 : i32 to vector<16xi32>
        %parallel_loop3A_250 = arith.addi %parallel_loop3A_247, %parallel_loop3A_249 : vector<16xi32>
        %parallel_loop3A_251 = arith.constant 16 : i32
        %parallel_loop3A_252 = vector.broadcast %parallel_loop3A_251 : i32 to vector<16xi32>
        %parallel_loop3A_253 = arith.muli %parallel_loop3A_250, %parallel_loop3A_252 : vector<16xi32>
        %parallel_loop3A_254 = tpu.iota {dimensions = array<i32: 0>} : vector<16xi32>
        %parallel_loop3A_255 = arith.addi %parallel_loop3A_253, %parallel_loop3A_254 : vector<16xi32>
        tpu.vector_store_idx %arg5[%parallel_loop3A_255], %broadcast_in_dim3A_3 {add = true} : memref<2048xi32, #tpu.memory_space<vmem>>[vector<16xi32>], vector<16xi32>,
        scf.yield %parallel_loop3A_31 : i32
      } {sc.loop_unroll_factor = 1 : i64, sc.parallel_access}
      %parallel_loop3A_22 = arith.constant 0 : i32
      %parallel_loop3A_23 = arith.constant 16 : i32
      %parallel_loop3A_24 = arith.constant 1 : i32
      %parallel_loop3A_25 = scf.for %parallel_loop3A_30 = %parallel_loop3A_22 to %parallel_loop3A_23 step %parallel_loop3A_24 iter_args(%parallel_loop3A_31 = %broadcast_in_dim3A_1) -> (vector<16xi32>)  : i32 {
        %parallel_loop3A_32 = arith.constant 8 : i32
        %parallel_loop3A_33 = arith.muli %parallel_loop3A_30, %parallel_loop3A_32 : i32
        %parallel_loop3A_34 = arith.constant 0 : i32
        %parallel_loop3A_35 = arith.addi %parallel_loop3A_33, %parallel_loop3A_34 : i32
        %parallel_loop3A_36 = arith.constant 16 : i32
        %parallel_loop3A_37 = arith.muli %parallel_loop3A_35, %parallel_loop3A_36 : i32
        %parallel_loop3A_38 = arith.index_cast %parallel_loop3A_37 : i32 to index
        %parallel_loop3A_39 = tpu.vector_load %arg5[%parallel_loop3A_38] {strides = array<i32>} : memref<2048xi32, #tpu.memory_space<vmem>>, vector<16xi32>,
        %parallel_loop3A_40 = arith.addi %parallel_loop3A_31, %parallel_loop3A_39 : vector<16xi32>
        %parallel_loop3A_41 = arith.constant 8 : i32
        %parallel_loop3A_42 = arith.muli %parallel_loop3A_30, %parallel_loop3A_41 : i32
        %parallel_loop3A_43 = arith.constant 0 : i32
        %parallel_loop3A_44 = arith.addi %parallel_loop3A_42, %parallel_loop3A_43 : i32
        %parallel_loop3A_45 = arith.constant 16 : i32
        %parallel_loop3A_46 = arith.muli %parallel_loop3A_44, %parallel_loop3A_45 : i32
        %parallel_loop3A_47 = arith.index_cast %parallel_loop3A_46 : i32 to index
        %parallel_loop3A_48 = tpu.vector_load %arg5[%parallel_loop3A_47] {strides = array<i32>} : memref<2048xi32, #tpu.memory_space<vmem>>, vector<16xi32>,
        tpu.vector_store %arg5[%parallel_loop3A_47], %parallel_loop3A_40 {strides = array<i32>} : memref<2048xi32, #tpu.memory_space<vmem>>, vector<16xi32>,
        %parallel_loop3A_49 = arith.constant 8 : i32
        %parallel_loop3A_50 = arith.muli %parallel_loop3A_30, %parallel_loop3A_49 : i32
        %parallel_loop3A_51 = arith.constant 1 : i32
        %parallel_loop3A_52 = arith.addi %parallel_loop3A_50, %parallel_loop3A_51 : i32
        %parallel_loop3A_53 = arith.constant 16 : i32
        %parallel_loop3A_54 = arith.muli %parallel_loop3A_52, %parallel_loop3A_53 : i32
        %parallel_loop3A_55 = arith.index_cast %parallel_loop3A_54 : i32 to index
        %parallel_loop3A_56 = tpu.vector_load %arg5[%parallel_loop3A_55] {strides = array<i32>} : memref<2048xi32, #tpu.memory_space<vmem>>, vector<16xi32>,
        %parallel_loop3A_57 = arith.addi %parallel_loop3A_40, %parallel_loop3A_56 : vector<16xi32>
        %parallel_loop3A_58 = arith.constant 8 : i32
        %parallel_loop3A_59 = arith.muli %parallel_loop3A_30, %parallel_loop3A_58 : i32
        %parallel_loop3A_60 = arith.constant 1 : i32
        %parallel_loop3A_61 = arith.addi %parallel_loop3A_59, %parallel_loop3A_60 : i32
        %parallel_loop3A_62 = arith.constant 16 : i32
        %parallel_loop3A_63 = arith.muli %parallel_loop3A_61, %parallel_loop3A_62 : i32
        %parallel_loop3A_64 = arith.index_cast %parallel_loop3A_63 : i32 to index
        %parallel_loop3A_65 = tpu.vector_load %arg5[%parallel_loop3A_64] {strides = array<i32>} : memref<2048xi32, #tpu.memory_space<vmem>>, vector<16xi32>,
        tpu.vector_store %arg5[%parallel_loop3A_64], %parallel_loop3A_57 {strides = array<i32>} : memref<2048xi32, #tpu.memory_space<vmem>>, vector<16xi32>,
        %parallel_loop3A_66 = arith.constant 8 : i32
        %parallel_loop3A_67 = arith.muli %parallel_loop3A_30, %parallel_loop3A_66 : i32
        %parallel_loop3A_68 = arith.constant 2 : i32
        %parallel_loop3A_69 = arith.addi %parallel_loop3A_67, %parallel_loop3A_68 : i32
        %parallel_loop3A_70 = arith.constant 16 : i32
        %parallel_loop3A_71 = arith.muli %parallel_loop3A_69, %parallel_loop3A_70 : i32
        %parallel_loop3A_72 = arith.index_cast %parallel_loop3A_71 : i32 to index
        %parallel_loop3A_73 = tpu.vector_load %arg5[%parallel_loop3A_72] {strides = array<i32>} : memref<2048xi32, #tpu.memory_space<vmem>>, vector<16xi32>,
        %parallel_loop3A_74 = arith.addi %parallel_loop3A_57, %parallel_loop3A_73 : vector<16xi32>
        %parallel_loop3A_75 = arith.constant 8 : i32
        %parallel_loop3A_76 = arith.muli %parallel_loop3A_30, %parallel_loop3A_75 : i32
        %parallel_loop3A_77 = arith.constant 2 : i32
        %parallel_loop3A_78 = arith.addi %parallel_loop3A_76, %parallel_loop3A_77 : i32
        %parallel_loop3A_79 = arith.constant 16 : i32
        %parallel_loop3A_80 = arith.muli %parallel_loop3A_78, %parallel_loop3A_79 : i32
        %parallel_loop3A_81 = arith.index_cast %parallel_loop3A_80 : i32 to index
        %parallel_loop3A_82 = tpu.vector_load %arg5[%parallel_loop3A_81] {strides = array<i32>} : memref<2048xi32, #tpu.memory_space<vmem>>, vector<16xi32>,
        tpu.vector_store %arg5[%parallel_loop3A_81], %parallel_loop3A_74 {strides = array<i32>} : memref<2048xi32, #tpu.memory_space<vmem>>, vector<16xi32>,
        %parallel_loop3A_83 = arith.constant 8 : i32
        %parallel_loop3A_84 = arith.muli %parallel_loop3A_30, %parallel_loop3A_83 : i32
        %parallel_loop3A_85 = arith.constant 3 : i32
        %parallel_loop3A_86 = arith.addi %parallel_loop3A_84, %parallel_loop3A_85 : i32
        %parallel_loop3A_87 = arith.constant 16 : i32
        %parallel_loop3A_88 = arith.muli %parallel_loop3A_86, %parallel_loop3A_87 : i32
        %parallel_loop3A_89 = arith.index_cast %parallel_loop3A_88 : i32 to index
        %parallel_loop3A_90 = tpu.vector_load %arg5[%parallel_loop3A_89] {strides = array<i32>} : memref<2048xi32, #tpu.memory_space<vmem>>, vector<16xi32>,
        %parallel_loop3A_91 = arith.addi %parallel_loop3A_74, %parallel_loop3A_90 : vector<16xi32>
        %parallel_loop3A_92 = arith.constant 8 : i32
        %parallel_loop3A_93 = arith.muli %parallel_loop3A_30, %parallel_loop3A_92 : i32
        %parallel_loop3A_94 = arith.constant 3 : i32
        %parallel_loop3A_95 = arith.addi %parallel_loop3A_93, %parallel_loop3A_94 : i32
        %parallel_loop3A_96 = arith.constant 16 : i32
        %parallel_loop3A_97 = arith.muli %parallel_loop3A_95, %parallel_loop3A_96 : i32
        %parallel_loop3A_98 = arith.index_cast %parallel_loop3A_97 : i32 to index
        %parallel_loop3A_99 = tpu.vector_load %arg5[%parallel_loop3A_98] {strides = array<i32>} : memref<2048xi32, #tpu.memory_space<vmem>>, vector<16xi32>,
        tpu.vector_store %arg5[%parallel_loop3A_98], %parallel_loop3A_91 {strides = array<i32>} : memref<2048xi32, #tpu.memory_space<vmem>>, vector<16xi32>,
        %parallel_loop3A_100 = arith.constant 8 : i32
        %parallel_loop3A_101 = arith.muli %parallel_loop3A_30, %parallel_loop3A_100 : i32
        %parallel_loop3A_102 = arith.constant 4 : i32
        %parallel_loop3A_103 = arith.addi %parallel_loop3A_101, %parallel_loop3A_102 : i32
        %parallel_loop3A_104 = arith.constant 16 : i32
        %parallel_loop3A_105 = arith.muli %parallel_loop3A_103, %parallel_loop3A_104 : i32
        %parallel_loop3A_106 = arith.index_cast %parallel_loop3A_105 : i32 to index
        %parallel_loop3A_107 = tpu.vector_load %arg5[%parallel_loop3A_106] {strides = array<i32>} : memref<2048xi32, #tpu.memory_space<vmem>>, vector<16xi32>,
        %parallel_loop3A_108 = arith.addi %parallel_loop3A_91, %parallel_loop3A_107 : vector<16xi32>
        %parallel_loop3A_109 = arith.constant 8 : i32
        %parallel_loop3A_110 = arith.muli %parallel_loop3A_30, %parallel_loop3A_109 : i32
        %parallel_loop3A_111 = arith.constant 4 : i32
        %parallel_loop3A_112 = arith.addi %parallel_loop3A_110, %parallel_loop3A_111 : i32
        %parallel_loop3A_113 = arith.constant 16 : i32
        %parallel_loop3A_114 = arith.muli %parallel_loop3A_112, %parallel_loop3A_113 : i32
        %parallel_loop3A_115 = arith.index_cast %parallel_loop3A_114 : i32 to index
        %parallel_loop3A_116 = tpu.vector_load %arg5[%parallel_loop3A_115] {strides = array<i32>} : memref<2048xi32, #tpu.memory_space<vmem>>, vector<16xi32>,
        tpu.vector_store %arg5[%parallel_loop3A_115], %parallel_loop3A_108 {strides = array<i32>} : memref<2048xi32, #tpu.memory_space<vmem>>, vector<16xi32>,
        %parallel_loop3A_117 = arith.constant 8 : i32
        %parallel_loop3A_118 = arith.muli %parallel_loop3A_30, %parallel_loop3A_117 : i32
        %parallel_loop3A_119 = arith.constant 5 : i32
        %parallel_loop3A_120 = arith.addi %parallel_loop3A_118, %parallel_loop3A_119 : i32
        %parallel_loop3A_121 = arith.constant 16 : i32
        %parallel_loop3A_122 = arith.muli %parallel_loop3A_120, %parallel_loop3A_121 : i32
        %parallel_loop3A_123 = arith.index_cast %parallel_loop3A_122 : i32 to index
        %parallel_loop3A_124 = tpu.vector_load %arg5[%parallel_loop3A_123] {strides = array<i32>} : memref<2048xi32, #tpu.memory_space<vmem>>, vector<16xi32>,
        %parallel_loop3A_125 = arith.addi %parallel_loop3A_108, %parallel_loop3A_124 : vector<16xi32>
        %parallel_loop3A_126 = arith.constant 8 : i32
        %parallel_loop3A_127 = arith.muli %parallel_loop3A_30, %parallel_loop3A_126 : i32
        %parallel_loop3A_128 = arith.constant 5 : i32
        %parallel_loop3A_129 = arith.addi %parallel_loop3A_127, %parallel_loop3A_128 : i32
        %parallel_loop3A_130 = arith.constant 16 : i32
        %parallel_loop3A_131 = arith.muli %parallel_loop3A_129, %parallel_loop3A_130 : i32
        %parallel_loop3A_132 = arith.index_cast %parallel_loop3A_131 : i32 to index
        %parallel_loop3A_133 = tpu.vector_load %arg5[%parallel_loop3A_132] {strides = array<i32>} : memref<2048xi32, #tpu.memory_space<vmem>>, vector<16xi32>,
        tpu.vector_store %arg5[%parallel_loop3A_132], %parallel_loop3A_125 {strides = array<i32>} : memref<2048xi32, #tpu.memory_space<vmem>>, vector<16xi32>,
        %parallel_loop3A_134 = arith.constant 8 : i32
        %parallel_loop3A_135 = arith.muli %parallel_loop3A_30, %parallel_loop3A_134 : i32
        %parallel_loop3A_136 = arith.constant 6 : i32
        %parallel_loop3A_137 = arith.addi %parallel_loop3A_135, %parallel_loop3A_136 : i32
        %parallel_loop3A_138 = arith.constant 16 : i32
        %parallel_loop3A_139 = arith.muli %parallel_loop3A_137, %parallel_loop3A_138 : i32
        %parallel_loop3A_140 = arith.index_cast %parallel_loop3A_139 : i32 to index
        %parallel_loop3A_141 = tpu.vector_load %arg5[%parallel_loop3A_140] {strides = array<i32>} : memref<2048xi32, #tpu.memory_space<vmem>>, vector<16xi32>,
        %parallel_loop3A_142 = arith.addi %parallel_loop3A_125, %parallel_loop3A_141 : vector<16xi32>
        %parallel_loop3A_143 = arith.constant 8 : i32
        %parallel_loop3A_144 = arith.muli %parallel_loop3A_30, %parallel_loop3A_143 : i32
        %parallel_loop3A_145 = arith.constant 6 : i32
        %parallel_loop3A_146 = arith.addi %parallel_loop3A_144, %parallel_loop3A_145 : i32
        %parallel_loop3A_147 = arith.constant 16 : i32
        %parallel_loop3A_148 = arith.muli %parallel_loop3A_146, %parallel_loop3A_147 : i32
        %parallel_loop3A_149 = arith.index_cast %parallel_loop3A_148 : i32 to index
        %parallel_loop3A_150 = tpu.vector_load %arg5[%parallel_loop3A_149] {strides = array<i32>} : memref<2048xi32, #tpu.memory_space<vmem>>, vector<16xi32>,
        tpu.vector_store %arg5[%parallel_loop3A_149], %parallel_loop3A_142 {strides = array<i32>} : memref<2048xi32, #tpu.memory_space<vmem>>, vector<16xi32>,
        %parallel_loop3A_151 = arith.constant 8 : i32
        %parallel_loop3A_152 = arith.muli %parallel_loop3A_30, %parallel_loop3A_151 : i32
        %parallel_loop3A_153 = arith.constant 7 : i32
        %parallel_loop3A_154 = arith.addi %parallel_loop3A_152, %parallel_loop3A_153 : i32
        %parallel_loop3A_155 = arith.constant 16 : i32
        %parallel_loop3A_156 = arith.muli %parallel_loop3A_154, %parallel_loop3A_155 : i32
        %parallel_loop3A_157 = arith.index_cast %parallel_loop3A_156 : i32 to index
        %parallel_loop3A_158 = tpu.vector_load %arg5[%parallel_loop3A_157] {strides = array<i32>} : memref<2048xi32, #tpu.memory_space<vmem>>, vector<16xi32>,
        %parallel_loop3A_159 = arith.addi %parallel_loop3A_142, %parallel_loop3A_158 : vector<16xi32>
        %parallel_loop3A_160 = arith.constant 8 : i32
        %parallel_loop3A_161 = arith.muli %parallel_loop3A_30, %parallel_loop3A_160 : i32
        %parallel_loop3A_162 = arith.constant 7 : i32
        %parallel_loop3A_163 = arith.addi %parallel_loop3A_161, %parallel_loop3A_162 : i32
        %parallel_loop3A_164 = arith.constant 16 : i32
        %parallel_loop3A_165 = arith.muli %parallel_loop3A_163, %parallel_loop3A_164 : i32
        %parallel_loop3A_166 = arith.index_cast %parallel_loop3A_165 : i32 to index
        %parallel_loop3A_167 = tpu.vector_load %arg5[%parallel_loop3A_166] {strides = array<i32>} : memref<2048xi32, #tpu.memory_space<vmem>>, vector<16xi32>,
        tpu.vector_store %arg5[%parallel_loop3A_166], %parallel_loop3A_159 {strides = array<i32>} : memref<2048xi32, #tpu.memory_space<vmem>>, vector<16xi32>,
        scf.yield %parallel_loop3A_159 : vector<16xi32>
      } {sc.loop_unroll_factor = 1 : i64, sc.parallel_access}
      %mul3A_26 = arith.constant 16 : i32
      %mul3A_27 = arith.muli %add3A_14, %mul3A_26 : i32
      %mul3A_28 = arith.constant 128 : i32
      %mul3A_29 = arith.muli %mul3A_27, %mul3A_28 : i32
      "tpu.region"() ({
        %run_scoped3A = tpu.sem_alloc : memref<!tpu.dma_semaphore, #tpu.memory_space<semaphore_mem>>
        %dma_start3A = tpu.memref_slice %arg3[%mul3A_29] : memref<2097152xi32, #tpu.memory_space<hbm>> -> memref<2048xi32, #tpu.memory_space<hbm>>
        %dma_start3A_30 = tpu.memref_slice %arg3[%mul3A_29] : memref<2097152xi32, #tpu.memory_space<hbm>> -> memref<2048xi32, #tpu.memory_space<hbm>>
        tpu.enqueue_dma source(%arg5 : memref<2048xi32, #tpu.memory_space<vmem>>) target(%dma_start3A_30 : memref<2048xi32, #tpu.memory_space<hbm>>) target_semaphore(%run_scoped3A : memref<!tpu.dma_semaphore, #tpu.memory_space<semaphore_mem>>)
        %dma_wait3A = tpu.memref_slice %arg3[%mul3A_29] : memref<2097152xi32, #tpu.memory_space<hbm>> -> memref<2048xi32, #tpu.memory_space<hbm>>
        %dma_wait3A_31 = tpu.memref_slice %arg3[%mul3A_29] : memref<2097152xi32, #tpu.memory_space<hbm>> -> memref<2048xi32, #tpu.memory_space<hbm>>
        tpu.wait_dma2 semaphore(%run_scoped3A : memref<!tpu.dma_semaphore, #tpu.memory_space<semaphore_mem>>) src(%arg5 : memref<2048xi32, #tpu.memory_space<vmem>>) dst(%dma_wait3A_31 : memref<2048xi32, #tpu.memory_space<hbm>>)
        tpu.yield
      }) : () -> ()
      scf.yield %parallel_loop3A_21 : i32
    }
    %scan3A_9 = arith.constant 32 : i32
    return
  }
}

module attributes {stable_mosaic.version = 14 : i64} {
  func.func @_mlp_kernel(%arg0: i32, %arg1: memref<1024x512xf32, #tpu.memory_space<vmem>>, %arg2: memref<512x1024xf32, #tpu.memory_space<vmem>>, %arg3: memref<1024x512xf32, #tpu.memory_space<vmem>>, %arg4: memref<512x512xf32, #tpu.memory_space<vmem>>, %arg5: memref<1024x1xi32, #tpu.memory_space<vmem>>) attributes {dimension_semantics = [#tpu.dimension_semantics<parallel>], iteration_bounds = array<i64: 16>, scalar_prefetch = 0 : i64, scratch_operands = 0 : i64, tpu.core_type = #tpu.core_type<tc>, window_params = [{transform_indices = @transform_0, window_bounds = array<i64: 1024, 512>}, {pipeline_mode = #tpu.pipeline_mode<synchronous>, transform_indices = @transform_1, window_bounds = array<i64: 512, 1024>}, {pipeline_mode = #tpu.pipeline_mode<synchronous>, transform_indices = @transform_2, window_bounds = array<i64: 1024, 512>}, {pipeline_mode = #tpu.pipeline_mode<synchronous>, transform_indices = @transform_3, window_bounds = array<i64: 512, 512>}, {transform_indices = @transform_4, window_bounds = array<i64: 1024, 1>}]} {
    %get3A = arith.constant 0 : index
    %get3A_0 = arith.constant 0 : index
    %get3A_1 = vector.load %arg1[%get3A, %get3A_0] : memref<1024x512xf32, #tpu.memory_space<vmem>>, vector<1024x512xf32>
    %get3A_2 = arith.constant 0 : index
    %get3A_3 = arith.constant 0 : index
    %get3A_4 = vector.load %arg2[%get3A_2, %get3A_3] : memref<512x1024xf32, #tpu.memory_space<vmem>>, vector<512x1024xf32>
    %dot_general3A = arith.constant dense<0.000000e+00> : vector<1024x1024xf32>
    %dot_general3A_5 = tpu.matmul %get3A_1, %get3A_4, %dot_general3A {dimension_numbers = #tpu.dot_dimension_numbers<[1], [0], [0], [1], [0, 0, 1, 1], [], []>, transpose_lhs_hint = false} : vector<1024x512xf32>, vector<512x1024xf32>, vector<1024x1024xf32> -> vector<1024x1024xf32>
    %max3A = arith.constant 0.000000e+00 : f32
    %max3A_6 = vector.broadcast %max3A : f32 to vector<1024x1024xf32>
    %max3A_7 = arith.maximumf %dot_general3A_5, %max3A_6 : vector<1024x1024xf32>
    %get3A_8 = arith.constant 0 : index
    %get3A_9 = arith.constant 0 : index
    %get3A_10 = vector.load %arg3[%get3A_8, %get3A_9] : memref<1024x512xf32, #tpu.memory_space<vmem>>, vector<1024x512xf32>
    %dot_general3A_11 = arith.constant dense<0.000000e+00> : vector<1024x512xf32>
    %dot_general3A_12 = tpu.matmul %max3A_7, %get3A_10, %dot_general3A_11 {dimension_numbers = #tpu.dot_dimension_numbers<[1], [0], [0], [1], [0, 0, 1, 1], [], []>, transpose_lhs_hint = false} : vector<1024x1024xf32>, vector<1024x512xf32>, vector<1024x512xf32> -> vector<1024x512xf32>
    %max3A_13 = arith.constant 0.000000e+00 : f32
    %max3A_14 = vector.broadcast %max3A_13 : f32 to vector<1024x512xf32>
    %max3A_15 = arith.maximumf %dot_general3A_12, %max3A_14 : vector<1024x512xf32>
    %get3A_16 = arith.constant 0 : index
    %get3A_17 = arith.constant 0 : index
    %get3A_18 = vector.load %arg4[%get3A_16, %get3A_17] : memref<512x512xf32, #tpu.memory_space<vmem>>, vector<512x512xf32>
    %dot_general3A_19 = arith.constant dense<0.000000e+00> : vector<1024x512xf32>
    %dot_general3A_20 = tpu.matmul %max3A_15, %get3A_18, %dot_general3A_19 {dimension_numbers = #tpu.dot_dimension_numbers<[1], [0], [0], [1], [0, 0, 1, 1], [], []>, transpose_lhs_hint = false} : vector<1024x512xf32>, vector<512x512xf32>, vector<1024x512xf32> -> vector<1024x512xf32>
    %argmax3A = tpu.reduce_index %dot_general3A_20 {axis = 1 : i32, kind = #tpu.reduction_kind<arg_max>} : vector<1024x512xf32> -> vector<1024xi32>
    %add3A = arith.constant 1 : i32
    %add3A_21 = vector.broadcast %add3A : i32 to vector<1024xi32>
    %add3A_22 = arith.addi %argmax3A, %add3A_21 : vector<1024xi32>
    %broadcast_in_dim3A = vector.shape_cast %add3A_22 : vector<1024xi32> to vector<1024x1xi32>
    %swap3A = arith.constant 0 : index
    %swap3A_23 = arith.constant 0 : index
    %swap3A_24 = vector.load %arg5[%swap3A, %swap3A_23] : memref<1024x1xi32, #tpu.memory_space<vmem>>, vector<1024x1xi32>
    tpu.vector_store %arg5[%swap3A, %swap3A_23], %broadcast_in_dim3A {strides = array<i32>} : memref<1024x1xi32, #tpu.memory_space<vmem>>, vector<1024x1xi32>,
    return
  }
  func.func @transform_0(%arg0: i32) -> (i32, i32) {
    %c0_i32 = arith.constant 0 : i32
    %c0_i32_0 = arith.constant 0 : i32
    return %arg0, %c0_i32 : i32, i32
  }
  func.func @transform_1(%arg0: i32) -> (i32, i32) {
    %c0_i32 = arith.constant 0 : i32
    %c0_i32_0 = arith.constant 0 : i32
    %c0_i32_1 = arith.constant 0 : i32
    return %c0_i32, %c0_i32_0 : i32, i32
  }
  func.func @transform_2(%arg0: i32) -> (i32, i32) {
    %c0_i32 = arith.constant 0 : i32
    %c0_i32_0 = arith.constant 0 : i32
    %c0_i32_1 = arith.constant 0 : i32
    return %c0_i32, %c0_i32_0 : i32, i32
  }
  func.func @transform_3(%arg0: i32) -> (i32, i32) {
    %c0_i32 = arith.constant 0 : i32
    %c0_i32_0 = arith.constant 0 : i32
    %c0_i32_1 = arith.constant 0 : i32
    return %c0_i32, %c0_i32_0 : i32, i32
  }
  func.func @transform_4(%arg0: i32) -> (i32, i32) {
    %c0_i32 = arith.constant 0 : i32
    %c0_i32_0 = arith.constant 0 : i32
    return %arg0, %c0_i32 : i32, i32
  }
}

module attributes {stable_mosaic.version = 14 : i64} {
  func.func @_mask_kernel(%arg0: i32, %arg1: memref<1024x512xf32, #tpu.memory_space<vmem>>, %arg2: memref<1024x128xi32, #tpu.memory_space<vmem>>, %arg3: memref<1024x1xi32, #tpu.memory_space<vmem>>, %arg4: memref<512x64xf32, #tpu.memory_space<vmem>>, %arg5: memref<1024x64xf32, #tpu.memory_space<vmem>>) attributes {dimension_semantics = [#tpu.dimension_semantics<parallel>], iteration_bounds = array<i64: 16>, scalar_prefetch = 0 : i64, scratch_operands = 0 : i64, tpu.core_type = #tpu.core_type<tc>, window_params = [{transform_indices = @transform_0, window_bounds = array<i64: 1024, 512>}, {transform_indices = @transform_1, window_bounds = array<i64: 1024, 128>}, {transform_indices = @transform_2, window_bounds = array<i64: 1024, 1>}, {pipeline_mode = #tpu.pipeline_mode<synchronous>, transform_indices = @transform_3, window_bounds = array<i64: 512, 64>}, {transform_indices = @transform_4, window_bounds = array<i64: 1024, 64>}]} {
    %get3A = arith.constant 0 : index
    %get3A_0 = arith.constant 0 : index
    %get3A_1 = vector.load %arg1[%get3A, %get3A_0] : memref<1024x512xf32, #tpu.memory_space<vmem>>, vector<1024x512xf32>
    %get3A_2 = arith.constant 0 : index
    %get3A_3 = arith.constant 0 : index
    %get3A_4 = vector.load %arg3[%get3A_2, %get3A_3] : memref<1024x1xi32, #tpu.memory_space<vmem>>, vector<1024x1xi32>
    %bitcast_convert_type3A = tpu.bitcast %get3A_1 : vector<1024x512xf32> -> vector<1024x512xi32>
    %shift_right_arithmetic3A = arith.constant 31 : i32
    %shift_right_arithmetic3A_5 = vector.broadcast %shift_right_arithmetic3A : i32 to vector<1024x512xi32>
    %shift_right_arithmetic3A_6 = arith.shrsi %bitcast_convert_type3A, %shift_right_arithmetic3A_5 : vector<1024x512xi32>
    %and3A = arith.constant 2147483647 : i32
    %and3A_7 = vector.broadcast %and3A : i32 to vector<1024x512xi32>
    %and3A_8 = arith.andi %shift_right_arithmetic3A_6, %and3A_7 : vector<1024x512xi32>
    %xor3A = arith.xori %bitcast_convert_type3A, %and3A_8 : vector<1024x512xi32>
    %get3A_9 = arith.constant 0 : index
    %get3A_10 = arith.constant 0 : index
    %get3A_11 = vector.load %arg2[%get3A_9, %get3A_10] : memref<1024x128xi32, #tpu.memory_space<vmem>>, vector<1024x128xi32>
    %sub3A = arith.constant 512 : i32
    %sub3A_12 = vector.broadcast %sub3A : i32 to vector<1024x1xi32>
    %sub3A_13 = arith.subi %sub3A_12, %get3A_4 : vector<1024x1xi32>
    %le3A = vector.broadcast %sub3A_13 : vector<1024x1xi32> to vector<1024x128xi32>
    %le3A_14 = arith.cmpi sle, %get3A_11, %le3A : vector<1024x128xi32>
    %convert_element_type3A = arith.extui %le3A_14 : vector<1024x128xi1> to vector<1024x128xi32>
    %reduce_sum3A = arith.constant dense<0> : vector<1024xi32>
    %reduce_sum3A_15 = vector.multi_reduction <add>, %convert_element_type3A, %reduce_sum3A [1] : vector<1024x128xi32> to vector<1024xi32>
    %broadcast_in_dim3A = vector.shape_cast %reduce_sum3A_15 : vector<1024xi32> to vector<1024x1xi32>
    %sub3A_16 = arith.constant 64 : i32
    %sub3A_17 = vector.broadcast %sub3A_16 : i32 to vector<1024x1xi32>
    %sub3A_18 = arith.subi %broadcast_in_dim3A, %sub3A_17 : vector<1024x1xi32>
    %shift_left3A = arith.constant 25 : i32
    %shift_left3A_19 = vector.broadcast %shift_left3A : i32 to vector<1024x1xi32>
    %shift_left3A_20 = arith.shli %sub3A_18, %shift_left3A_19 : vector<1024x1xi32>
    %eq3A = arith.constant 127 : i32
    %eq3A_21 = vector.broadcast %eq3A : i32 to vector<1024x1xi32>
    %eq3A_22 = arith.cmpi eq, %broadcast_in_dim3A, %eq3A_21 : vector<1024x1xi32>
    %add3A = arith.constant 33554432 : i32
    %add3A_23 = vector.broadcast %add3A : i32 to vector<1024x1xi32>
    %add3A_24 = arith.addi %shift_left3A_20, %add3A_23 : vector<1024x1xi32>
    %jit3A = arith.constant 2147483647 : i32
    %broadcast_in_dim3A_25 = vector.broadcast %jit3A : i32 to vector<1024x1xi32>
    %select_n3A = arith.select %eq3A_22, %broadcast_in_dim3A_25, %add3A_24 : vector<1024x1xi1>, vector<1024x1xi32>
    %shift_right_arithmetic3A_26 = arith.constant 1 : i32
    %shift_right_arithmetic3A_27 = vector.broadcast %shift_right_arithmetic3A_26 : i32 to vector<1024x1xi32>
    %shift_right_arithmetic3A_28 = arith.shrsi %shift_left3A_20, %shift_right_arithmetic3A_27 : vector<1024x1xi32>
    %shift_right_arithmetic3A_29 = arith.constant 1 : i32
    %shift_right_arithmetic3A_30 = vector.broadcast %shift_right_arithmetic3A_29 : i32 to vector<1024x1xi32>
    %shift_right_arithmetic3A_31 = arith.shrsi %select_n3A, %shift_right_arithmetic3A_30 : vector<1024x1xi32>
    %add3A_32 = arith.addi %shift_right_arithmetic3A_28, %shift_right_arithmetic3A_31 : vector<1024x1xi32>
    %and3A_33 = arith.andi %shift_left3A_20, %select_n3A : vector<1024x1xi32>
    %and3A_34 = arith.constant 1 : i32
    %and3A_35 = vector.broadcast %and3A_34 : i32 to vector<1024x1xi32>
    %and3A_36 = arith.andi %and3A_33, %and3A_35 : vector<1024x1xi32>
    %add3A_37 = arith.addi %add3A_32, %and3A_36 : vector<1024x1xi32>
    %ge3A = vector.broadcast %add3A_37 : vector<1024x1xi32> to vector<1024x512xi32>
    %ge3A_38 = arith.cmpi sge, %xor3A, %ge3A : vector<1024x512xi32>
    %convert_element_type3A_39 = arith.extui %ge3A_38 : vector<1024x512xi1> to vector<1024x512xi32>
    %reduce_sum3A_40 = arith.constant dense<0> : vector<1024xi32>
    %reduce_sum3A_41 = vector.multi_reduction <add>, %convert_element_type3A_39, %reduce_sum3A_40 [1] : vector<1024x512xi32> to vector<1024xi32>
    %broadcast_in_dim3A_42 = vector.shape_cast %reduce_sum3A_41 : vector<1024xi32> to vector<1024x1xi32>
    %ge3A_43 = arith.cmpi sge, %broadcast_in_dim3A_42, %get3A_4 : vector<1024x1xi32>
    %select_n3A_44 = arith.select %ge3A_43, %add3A_37, %shift_left3A_20 : vector<1024x1xi1>, vector<1024x1xi32>
    %select_n3A_45 = arith.select %ge3A_43, %select_n3A, %add3A_37 : vector<1024x1xi1>, vector<1024x1xi32>
    %shift_right_arithmetic3A_46 = arith.constant 1 : i32
    %shift_right_arithmetic3A_47 = vector.broadcast %shift_right_arithmetic3A_46 : i32 to vector<1024x1xi32>
    %shift_right_arithmetic3A_48 = arith.shrsi %select_n3A_44, %shift_right_arithmetic3A_47 : vector<1024x1xi32>
    %shift_right_arithmetic3A_49 = arith.constant 1 : i32
    %shift_right_arithmetic3A_50 = vector.broadcast %shift_right_arithmetic3A_49 : i32 to vector<1024x1xi32>
    %shift_right_arithmetic3A_51 = arith.shrsi %select_n3A_45, %shift_right_arithmetic3A_50 : vector<1024x1xi32>
    %add3A_52 = arith.addi %shift_right_arithmetic3A_48, %shift_right_arithmetic3A_51 : vector<1024x1xi32>
    %and3A_53 = arith.andi %select_n3A_44, %select_n3A_45 : vector<1024x1xi32>
    %and3A_54 = arith.constant 1 : i32
    %and3A_55 = vector.broadcast %and3A_54 : i32 to vector<1024x1xi32>
    %and3A_56 = arith.andi %and3A_53, %and3A_55 : vector<1024x1xi32>
    %add3A_57 = arith.addi %add3A_52, %and3A_56 : vector<1024x1xi32>
    %ge3A_58 = vector.broadcast %add3A_57 : vector<1024x1xi32> to vector<1024x512xi32>
    %ge3A_59 = arith.cmpi sge, %xor3A, %ge3A_58 : vector<1024x512xi32>
    %convert_element_type3A_60 = arith.extui %ge3A_59 : vector<1024x512xi1> to vector<1024x512xi32>
    %reduce_sum3A_61 = arith.constant dense<0> : vector<1024xi32>
    %reduce_sum3A_62 = vector.multi_reduction <add>, %convert_element_type3A_60, %reduce_sum3A_61 [1] : vector<1024x512xi32> to vector<1024xi32>
    %broadcast_in_dim3A_63 = vector.shape_cast %reduce_sum3A_62 : vector<1024xi32> to vector<1024x1xi32>
    %ge3A_64 = arith.cmpi sge, %broadcast_in_dim3A_63, %get3A_4 : vector<1024x1xi32>
    %select_n3A_65 = arith.select %ge3A_64, %add3A_57, %select_n3A_44 : vector<1024x1xi1>, vector<1024x1xi32>
    %select_n3A_66 = arith.select %ge3A_64, %select_n3A_45, %add3A_57 : vector<1024x1xi1>, vector<1024x1xi32>
    %shift_right_arithmetic3A_67 = arith.constant 1 : i32
    %shift_right_arithmetic3A_68 = vector.broadcast %shift_right_arithmetic3A_67 : i32 to vector<1024x1xi32>
    %shift_right_arithmetic3A_69 = arith.shrsi %select_n3A_65, %shift_right_arithmetic3A_68 : vector<1024x1xi32>
    %shift_right_arithmetic3A_70 = arith.constant 1 : i32
    %shift_right_arithmetic3A_71 = vector.broadcast %shift_right_arithmetic3A_70 : i32 to vector<1024x1xi32>
    %shift_right_arithmetic3A_72 = arith.shrsi %select_n3A_66, %shift_right_arithmetic3A_71 : vector<1024x1xi32>
    %add3A_73 = arith.addi %shift_right_arithmetic3A_69, %shift_right_arithmetic3A_72 : vector<1024x1xi32>
    %and3A_74 = arith.andi %select_n3A_65, %select_n3A_66 : vector<1024x1xi32>
    %and3A_75 = arith.constant 1 : i32
    %and3A_76 = vector.broadcast %and3A_75 : i32 to vector<1024x1xi32>
    %and3A_77 = arith.andi %and3A_74, %and3A_76 : vector<1024x1xi32>
    %add3A_78 = arith.addi %add3A_73, %and3A_77 : vector<1024x1xi32>
    %ge3A_79 = vector.broadcast %add3A_78 : vector<1024x1xi32> to vector<1024x512xi32>
    %ge3A_80 = arith.cmpi sge, %xor3A, %ge3A_79 : vector<1024x512xi32>
    %convert_element_type3A_81 = arith.extui %ge3A_80 : vector<1024x512xi1> to vector<1024x512xi32>
    %reduce_sum3A_82 = arith.constant dense<0> : vector<1024xi32>
    %reduce_sum3A_83 = vector.multi_reduction <add>, %convert_element_type3A_81, %reduce_sum3A_82 [1] : vector<1024x512xi32> to vector<1024xi32>
    %broadcast_in_dim3A_84 = vector.shape_cast %reduce_sum3A_83 : vector<1024xi32> to vector<1024x1xi32>
    %ge3A_85 = arith.cmpi sge, %broadcast_in_dim3A_84, %get3A_4 : vector<1024x1xi32>
    %select_n3A_86 = arith.select %ge3A_85, %add3A_78, %select_n3A_65 : vector<1024x1xi1>, vector<1024x1xi32>
    %select_n3A_87 = arith.select %ge3A_85, %select_n3A_66, %add3A_78 : vector<1024x1xi1>, vector<1024x1xi32>
    %shift_right_arithmetic3A_88 = arith.constant 1 : i32
    %shift_right_arithmetic3A_89 = vector.broadcast %shift_right_arithmetic3A_88 : i32 to vector<1024x1xi32>
    %shift_right_arithmetic3A_90 = arith.shrsi %select_n3A_86, %shift_right_arithmetic3A_89 : vector<1024x1xi32>
    %shift_right_arithmetic3A_91 = arith.constant 1 : i32
    %shift_right_arithmetic3A_92 = vector.broadcast %shift_right_arithmetic3A_91 : i32 to vector<1024x1xi32>
    %shift_right_arithmetic3A_93 = arith.shrsi %select_n3A_87, %shift_right_arithmetic3A_92 : vector<1024x1xi32>
    %add3A_94 = arith.addi %shift_right_arithmetic3A_90, %shift_right_arithmetic3A_93 : vector<1024x1xi32>
    %and3A_95 = arith.andi %select_n3A_86, %select_n3A_87 : vector<1024x1xi32>
    %and3A_96 = arith.constant 1 : i32
    %and3A_97 = vector.broadcast %and3A_96 : i32 to vector<1024x1xi32>
    %and3A_98 = arith.andi %and3A_95, %and3A_97 : vector<1024x1xi32>
    %add3A_99 = arith.addi %add3A_94, %and3A_98 : vector<1024x1xi32>
    %ge3A_100 = vector.broadcast %add3A_99 : vector<1024x1xi32> to vector<1024x512xi32>
    %ge3A_101 = arith.cmpi sge, %xor3A, %ge3A_100 : vector<1024x512xi32>
    %convert_element_type3A_102 = arith.extui %ge3A_101 : vector<1024x512xi1> to vector<1024x512xi32>
    %reduce_sum3A_103 = arith.constant dense<0> : vector<1024xi32>
    %reduce_sum3A_104 = vector.multi_reduction <add>, %convert_element_type3A_102, %reduce_sum3A_103 [1] : vector<1024x512xi32> to vector<1024xi32>
    %broadcast_in_dim3A_105 = vector.shape_cast %reduce_sum3A_104 : vector<1024xi32> to vector<1024x1xi32>
    %ge3A_106 = arith.cmpi sge, %broadcast_in_dim3A_105, %get3A_4 : vector<1024x1xi32>
    %select_n3A_107 = arith.select %ge3A_106, %add3A_99, %select_n3A_86 : vector<1024x1xi1>, vector<1024x1xi32>
    %select_n3A_108 = arith.select %ge3A_106, %select_n3A_87, %add3A_99 : vector<1024x1xi1>, vector<1024x1xi32>
    %shift_right_arithmetic3A_109 = arith.constant 1 : i32
    %shift_right_arithmetic3A_110 = vector.broadcast %shift_right_arithmetic3A_109 : i32 to vector<1024x1xi32>
    %shift_right_arithmetic3A_111 = arith.shrsi %select_n3A_107, %shift_right_arithmetic3A_110 : vector<1024x1xi32>
    %shift_right_arithmetic3A_112 = arith.constant 1 : i32
    %shift_right_arithmetic3A_113 = vector.broadcast %shift_right_arithmetic3A_112 : i32 to vector<1024x1xi32>
    %shift_right_arithmetic3A_114 = arith.shrsi %select_n3A_108, %shift_right_arithmetic3A_113 : vector<1024x1xi32>
    %add3A_115 = arith.addi %shift_right_arithmetic3A_111, %shift_right_arithmetic3A_114 : vector<1024x1xi32>
    %and3A_116 = arith.andi %select_n3A_107, %select_n3A_108 : vector<1024x1xi32>
    %and3A_117 = arith.constant 1 : i32
    %and3A_118 = vector.broadcast %and3A_117 : i32 to vector<1024x1xi32>
    %and3A_119 = arith.andi %and3A_116, %and3A_118 : vector<1024x1xi32>
    %add3A_120 = arith.addi %add3A_115, %and3A_119 : vector<1024x1xi32>
    %ge3A_121 = vector.broadcast %add3A_120 : vector<1024x1xi32> to vector<1024x512xi32>
    %ge3A_122 = arith.cmpi sge, %xor3A, %ge3A_121 : vector<1024x512xi32>
    %convert_element_type3A_123 = arith.extui %ge3A_122 : vector<1024x512xi1> to vector<1024x512xi32>
    %reduce_sum3A_124 = arith.constant dense<0> : vector<1024xi32>
    %reduce_sum3A_125 = vector.multi_reduction <add>, %convert_element_type3A_123, %reduce_sum3A_124 [1] : vector<1024x512xi32> to vector<1024xi32>
    %broadcast_in_dim3A_126 = vector.shape_cast %reduce_sum3A_125 : vector<1024xi32> to vector<1024x1xi32>
    %ge3A_127 = arith.cmpi sge, %broadcast_in_dim3A_126, %get3A_4 : vector<1024x1xi32>
    %select_n3A_128 = arith.select %ge3A_127, %add3A_120, %select_n3A_107 : vector<1024x1xi1>, vector<1024x1xi32>
    %select_n3A_129 = arith.select %ge3A_127, %select_n3A_108, %add3A_120 : vector<1024x1xi1>, vector<1024x1xi32>
    %shift_right_arithmetic3A_130 = arith.constant 1 : i32
    %shift_right_arithmetic3A_131 = vector.broadcast %shift_right_arithmetic3A_130 : i32 to vector<1024x1xi32>
    %shift_right_arithmetic3A_132 = arith.shrsi %select_n3A_128, %shift_right_arithmetic3A_131 : vector<1024x1xi32>
    %shift_right_arithmetic3A_133 = arith.constant 1 : i32
    %shift_right_arithmetic3A_134 = vector.broadcast %shift_right_arithmetic3A_133 : i32 to vector<1024x1xi32>
    %shift_right_arithmetic3A_135 = arith.shrsi %select_n3A_129, %shift_right_arithmetic3A_134 : vector<1024x1xi32>
    %add3A_136 = arith.addi %shift_right_arithmetic3A_132, %shift_right_arithmetic3A_135 : vector<1024x1xi32>
    %and3A_137 = arith.andi %select_n3A_128, %select_n3A_129 : vector<1024x1xi32>
    %and3A_138 = arith.constant 1 : i32
    %and3A_139 = vector.broadcast %and3A_138 : i32 to vector<1024x1xi32>
    %and3A_140 = arith.andi %and3A_137, %and3A_139 : vector<1024x1xi32>
    %add3A_141 = arith.addi %add3A_136, %and3A_140 : vector<1024x1xi32>
    %ge3A_142 = vector.broadcast %add3A_141 : vector<1024x1xi32> to vector<1024x512xi32>
    %ge3A_143 = arith.cmpi sge, %xor3A, %ge3A_142 : vector<1024x512xi32>
    %convert_element_type3A_144 = arith.extui %ge3A_143 : vector<1024x512xi1> to vector<1024x512xi32>
    %reduce_sum3A_145 = arith.constant dense<0> : vector<1024xi32>
    %reduce_sum3A_146 = vector.multi_reduction <add>, %convert_element_type3A_144, %reduce_sum3A_145 [1] : vector<1024x512xi32> to vector<1024xi32>
    %broadcast_in_dim3A_147 = vector.shape_cast %reduce_sum3A_146 : vector<1024xi32> to vector<1024x1xi32>
    %ge3A_148 = arith.cmpi sge, %broadcast_in_dim3A_147, %get3A_4 : vector<1024x1xi32>
    %select_n3A_149 = arith.select %ge3A_148, %add3A_141, %select_n3A_128 : vector<1024x1xi1>, vector<1024x1xi32>
    %select_n3A_150 = arith.select %ge3A_148, %select_n3A_129, %add3A_141 : vector<1024x1xi1>, vector<1024x1xi32>
    %shift_right_arithmetic3A_151 = arith.constant 1 : i32
    %shift_right_arithmetic3A_152 = vector.broadcast %shift_right_arithmetic3A_151 : i32 to vector<1024x1xi32>
    %shift_right_arithmetic3A_153 = arith.shrsi %select_n3A_149, %shift_right_arithmetic3A_152 : vector<1024x1xi32>
    %shift_right_arithmetic3A_154 = arith.constant 1 : i32
    %shift_right_arithmetic3A_155 = vector.broadcast %shift_right_arithmetic3A_154 : i32 to vector<1024x1xi32>
    %shift_right_arithmetic3A_156 = arith.shrsi %select_n3A_150, %shift_right_arithmetic3A_155 : vector<1024x1xi32>
    %add3A_157 = arith.addi %shift_right_arithmetic3A_153, %shift_right_arithmetic3A_156 : vector<1024x1xi32>
    %and3A_158 = arith.andi %select_n3A_149, %select_n3A_150 : vector<1024x1xi32>
    %and3A_159 = arith.constant 1 : i32
    %and3A_160 = vector.broadcast %and3A_159 : i32 to vector<1024x1xi32>
    %and3A_161 = arith.andi %and3A_158, %and3A_160 : vector<1024x1xi32>
    %add3A_162 = arith.addi %add3A_157, %and3A_161 : vector<1024x1xi32>
    %ge3A_163 = vector.broadcast %add3A_162 : vector<1024x1xi32> to vector<1024x512xi32>
    %ge3A_164 = arith.cmpi sge, %xor3A, %ge3A_163 : vector<1024x512xi32>
    %convert_element_type3A_165 = arith.extui %ge3A_164 : vector<1024x512xi1> to vector<1024x512xi32>
    %reduce_sum3A_166 = arith.constant dense<0> : vector<1024xi32>
    %reduce_sum3A_167 = vector.multi_reduction <add>, %convert_element_type3A_165, %reduce_sum3A_166 [1] : vector<1024x512xi32> to vector<1024xi32>
    %broadcast_in_dim3A_168 = vector.shape_cast %reduce_sum3A_167 : vector<1024xi32> to vector<1024x1xi32>
    %ge3A_169 = arith.cmpi sge, %broadcast_in_dim3A_168, %get3A_4 : vector<1024x1xi32>
    %select_n3A_170 = arith.select %ge3A_169, %add3A_162, %select_n3A_149 : vector<1024x1xi1>, vector<1024x1xi32>
    %select_n3A_171 = arith.select %ge3A_169, %select_n3A_150, %add3A_162 : vector<1024x1xi1>, vector<1024x1xi32>
    %shift_right_arithmetic3A_172 = arith.constant 1 : i32
    %shift_right_arithmetic3A_173 = vector.broadcast %shift_right_arithmetic3A_172 : i32 to vector<1024x1xi32>
    %shift_right_arithmetic3A_174 = arith.shrsi %select_n3A_170, %shift_right_arithmetic3A_173 : vector<1024x1xi32>
    %shift_right_arithmetic3A_175 = arith.constant 1 : i32
    %shift_right_arithmetic3A_176 = vector.broadcast %shift_right_arithmetic3A_175 : i32 to vector<1024x1xi32>
    %shift_right_arithmetic3A_177 = arith.shrsi %select_n3A_171, %shift_right_arithmetic3A_176 : vector<1024x1xi32>
    %add3A_178 = arith.addi %shift_right_arithmetic3A_174, %shift_right_arithmetic3A_177 : vector<1024x1xi32>
    %and3A_179 = arith.andi %select_n3A_170, %select_n3A_171 : vector<1024x1xi32>
    %and3A_180 = arith.constant 1 : i32
    %and3A_181 = vector.broadcast %and3A_180 : i32 to vector<1024x1xi32>
    %and3A_182 = arith.andi %and3A_179, %and3A_181 : vector<1024x1xi32>
    %add3A_183 = arith.addi %add3A_178, %and3A_182 : vector<1024x1xi32>
    %ge3A_184 = vector.broadcast %add3A_183 : vector<1024x1xi32> to vector<1024x512xi32>
    %ge3A_185 = arith.cmpi sge, %xor3A, %ge3A_184 : vector<1024x512xi32>
    %convert_element_type3A_186 = arith.extui %ge3A_185 : vector<1024x512xi1> to vector<1024x512xi32>
    %reduce_sum3A_187 = arith.constant dense<0> : vector<1024xi32>
    %reduce_sum3A_188 = vector.multi_reduction <add>, %convert_element_type3A_186, %reduce_sum3A_187 [1] : vector<1024x512xi32> to vector<1024xi32>
    %broadcast_in_dim3A_189 = vector.shape_cast %reduce_sum3A_188 : vector<1024xi32> to vector<1024x1xi32>
    %ge3A_190 = arith.cmpi sge, %broadcast_in_dim3A_189, %get3A_4 : vector<1024x1xi32>
    %select_n3A_191 = arith.select %ge3A_190, %add3A_183, %select_n3A_170 : vector<1024x1xi1>, vector<1024x1xi32>
    %select_n3A_192 = arith.select %ge3A_190, %select_n3A_171, %add3A_183 : vector<1024x1xi1>, vector<1024x1xi32>
    %shift_right_arithmetic3A_193 = arith.constant 1 : i32
    %shift_right_arithmetic3A_194 = vector.broadcast %shift_right_arithmetic3A_193 : i32 to vector<1024x1xi32>
    %shift_right_arithmetic3A_195 = arith.shrsi %select_n3A_191, %shift_right_arithmetic3A_194 : vector<1024x1xi32>
    %shift_right_arithmetic3A_196 = arith.constant 1 : i32
    %shift_right_arithmetic3A_197 = vector.broadcast %shift_right_arithmetic3A_196 : i32 to vector<1024x1xi32>
    %shift_right_arithmetic3A_198 = arith.shrsi %select_n3A_192, %shift_right_arithmetic3A_197 : vector<1024x1xi32>
    %add3A_199 = arith.addi %shift_right_arithmetic3A_195, %shift_right_arithmetic3A_198 : vector<1024x1xi32>
    %and3A_200 = arith.andi %select_n3A_191, %select_n3A_192 : vector<1024x1xi32>
    %and3A_201 = arith.constant 1 : i32
    %and3A_202 = vector.broadcast %and3A_201 : i32 to vector<1024x1xi32>
    %and3A_203 = arith.andi %and3A_200, %and3A_202 : vector<1024x1xi32>
    %add3A_204 = arith.addi %add3A_199, %and3A_203 : vector<1024x1xi32>
    %ge3A_205 = vector.broadcast %add3A_204 : vector<1024x1xi32> to vector<1024x512xi32>
    %ge3A_206 = arith.cmpi sge, %xor3A, %ge3A_205 : vector<1024x512xi32>
    %convert_element_type3A_207 = arith.extui %ge3A_206 : vector<1024x512xi1> to vector<1024x512xi32>
    %reduce_sum3A_208 = arith.constant dense<0> : vector<1024xi32>
    %reduce_sum3A_209 = vector.multi_reduction <add>, %convert_element_type3A_207, %reduce_sum3A_208 [1] : vector<1024x512xi32> to vector<1024xi32>
    %broadcast_in_dim3A_210 = vector.shape_cast %reduce_sum3A_209 : vector<1024xi32> to vector<1024x1xi32>
    %ge3A_211 = arith.cmpi sge, %broadcast_in_dim3A_210, %get3A_4 : vector<1024x1xi32>
    %select_n3A_212 = arith.select %ge3A_211, %add3A_204, %select_n3A_191 : vector<1024x1xi1>, vector<1024x1xi32>
    %select_n3A_213 = arith.select %ge3A_211, %select_n3A_192, %add3A_204 : vector<1024x1xi1>, vector<1024x1xi32>
    %shift_right_arithmetic3A_214 = arith.constant 1 : i32
    %shift_right_arithmetic3A_215 = vector.broadcast %shift_right_arithmetic3A_214 : i32 to vector<1024x1xi32>
    %shift_right_arithmetic3A_216 = arith.shrsi %select_n3A_212, %shift_right_arithmetic3A_215 : vector<1024x1xi32>
    %shift_right_arithmetic3A_217 = arith.constant 1 : i32
    %shift_right_arithmetic3A_218 = vector.broadcast %shift_right_arithmetic3A_217 : i32 to vector<1024x1xi32>
    %shift_right_arithmetic3A_219 = arith.shrsi %select_n3A_213, %shift_right_arithmetic3A_218 : vector<1024x1xi32>
    %add3A_220 = arith.addi %shift_right_arithmetic3A_216, %shift_right_arithmetic3A_219 : vector<1024x1xi32>
    %and3A_221 = arith.andi %select_n3A_212, %select_n3A_213 : vector<1024x1xi32>
    %and3A_222 = arith.constant 1 : i32
    %and3A_223 = vector.broadcast %and3A_222 : i32 to vector<1024x1xi32>
    %and3A_224 = arith.andi %and3A_221, %and3A_223 : vector<1024x1xi32>
    %add3A_225 = arith.addi %add3A_220, %and3A_224 : vector<1024x1xi32>
    %ge3A_226 = vector.broadcast %add3A_225 : vector<1024x1xi32> to vector<1024x512xi32>
    %ge3A_227 = arith.cmpi sge, %xor3A, %ge3A_226 : vector<1024x512xi32>
    %convert_element_type3A_228 = arith.extui %ge3A_227 : vector<1024x512xi1> to vector<1024x512xi32>
    %reduce_sum3A_229 = arith.constant dense<0> : vector<1024xi32>
    %reduce_sum3A_230 = vector.multi_reduction <add>, %convert_element_type3A_228, %reduce_sum3A_229 [1] : vector<1024x512xi32> to vector<1024xi32>
    %broadcast_in_dim3A_231 = vector.shape_cast %reduce_sum3A_230 : vector<1024xi32> to vector<1024x1xi32>
    %ge3A_232 = arith.cmpi sge, %broadcast_in_dim3A_231, %get3A_4 : vector<1024x1xi32>
    %select_n3A_233 = arith.select %ge3A_232, %add3A_225, %select_n3A_212 : vector<1024x1xi1>, vector<1024x1xi32>
    %select_n3A_234 = arith.select %ge3A_232, %select_n3A_213, %add3A_225 : vector<1024x1xi1>, vector<1024x1xi32>
    %shift_right_arithmetic3A_235 = arith.constant 1 : i32
    %shift_right_arithmetic3A_236 = vector.broadcast %shift_right_arithmetic3A_235 : i32 to vector<1024x1xi32>
    %shift_right_arithmetic3A_237 = arith.shrsi %select_n3A_233, %shift_right_arithmetic3A_236 : vector<1024x1xi32>
    %shift_right_arithmetic3A_238 = arith.constant 1 : i32
    %shift_right_arithmetic3A_239 = vector.broadcast %shift_right_arithmetic3A_238 : i32 to vector<1024x1xi32>
    %shift_right_arithmetic3A_240 = arith.shrsi %select_n3A_234, %shift_right_arithmetic3A_239 : vector<1024x1xi32>
    %add3A_241 = arith.addi %shift_right_arithmetic3A_237, %shift_right_arithmetic3A_240 : vector<1024x1xi32>
    %and3A_242 = arith.andi %select_n3A_233, %select_n3A_234 : vector<1024x1xi32>
    %and3A_243 = arith.constant 1 : i32
    %and3A_244 = vector.broadcast %and3A_243 : i32 to vector<1024x1xi32>
    %and3A_245 = arith.andi %and3A_242, %and3A_244 : vector<1024x1xi32>
    %add3A_246 = arith.addi %add3A_241, %and3A_245 : vector<1024x1xi32>
    %ge3A_247 = vector.broadcast %add3A_246 : vector<1024x1xi32> to vector<1024x512xi32>
    %ge3A_248 = arith.cmpi sge, %xor3A, %ge3A_247 : vector<1024x512xi32>
    %convert_element_type3A_249 = arith.extui %ge3A_248 : vector<1024x512xi1> to vector<1024x512xi32>
    %reduce_sum3A_250 = arith.constant dense<0> : vector<1024xi32>
    %reduce_sum3A_251 = vector.multi_reduction <add>, %convert_element_type3A_249, %reduce_sum3A_250 [1] : vector<1024x512xi32> to vector<1024xi32>
    %broadcast_in_dim3A_252 = vector.shape_cast %reduce_sum3A_251 : vector<1024xi32> to vector<1024x1xi32>
    %ge3A_253 = arith.cmpi sge, %broadcast_in_dim3A_252, %get3A_4 : vector<1024x1xi32>
    %select_n3A_254 = arith.select %ge3A_253, %add3A_246, %select_n3A_233 : vector<1024x1xi1>, vector<1024x1xi32>
    %select_n3A_255 = arith.select %ge3A_253, %select_n3A_234, %add3A_246 : vector<1024x1xi1>, vector<1024x1xi32>
    %shift_right_arithmetic3A_256 = arith.constant 1 : i32
    %shift_right_arithmetic3A_257 = vector.broadcast %shift_right_arithmetic3A_256 : i32 to vector<1024x1xi32>
    %shift_right_arithmetic3A_258 = arith.shrsi %select_n3A_254, %shift_right_arithmetic3A_257 : vector<1024x1xi32>
    %shift_right_arithmetic3A_259 = arith.constant 1 : i32
    %shift_right_arithmetic3A_260 = vector.broadcast %shift_right_arithmetic3A_259 : i32 to vector<1024x1xi32>
    %shift_right_arithmetic3A_261 = arith.shrsi %select_n3A_255, %shift_right_arithmetic3A_260 : vector<1024x1xi32>
    %add3A_262 = arith.addi %shift_right_arithmetic3A_258, %shift_right_arithmetic3A_261 : vector<1024x1xi32>
    %and3A_263 = arith.andi %select_n3A_254, %select_n3A_255 : vector<1024x1xi32>
    %and3A_264 = arith.constant 1 : i32
    %and3A_265 = vector.broadcast %and3A_264 : i32 to vector<1024x1xi32>
    %and3A_266 = arith.andi %and3A_263, %and3A_265 : vector<1024x1xi32>
    %add3A_267 = arith.addi %add3A_262, %and3A_266 : vector<1024x1xi32>
    %ge3A_268 = vector.broadcast %add3A_267 : vector<1024x1xi32> to vector<1024x512xi32>
    %ge3A_269 = arith.cmpi sge, %xor3A, %ge3A_268 : vector<1024x512xi32>
    %convert_element_type3A_270 = arith.extui %ge3A_269 : vector<1024x512xi1> to vector<1024x512xi32>
    %reduce_sum3A_271 = arith.constant dense<0> : vector<1024xi32>
    %reduce_sum3A_272 = vector.multi_reduction <add>, %convert_element_type3A_270, %reduce_sum3A_271 [1] : vector<1024x512xi32> to vector<1024xi32>
    %broadcast_in_dim3A_273 = vector.shape_cast %reduce_sum3A_272 : vector<1024xi32> to vector<1024x1xi32>
    %ge3A_274 = arith.cmpi sge, %broadcast_in_dim3A_273, %get3A_4 : vector<1024x1xi32>
    %select_n3A_275 = arith.select %ge3A_274, %add3A_267, %select_n3A_254 : vector<1024x1xi1>, vector<1024x1xi32>
    %select_n3A_276 = arith.select %ge3A_274, %select_n3A_255, %add3A_267 : vector<1024x1xi1>, vector<1024x1xi32>
    %shift_right_arithmetic3A_277 = arith.constant 1 : i32
    %shift_right_arithmetic3A_278 = vector.broadcast %shift_right_arithmetic3A_277 : i32 to vector<1024x1xi32>
    %shift_right_arithmetic3A_279 = arith.shrsi %select_n3A_275, %shift_right_arithmetic3A_278 : vector<1024x1xi32>
    %shift_right_arithmetic3A_280 = arith.constant 1 : i32
    %shift_right_arithmetic3A_281 = vector.broadcast %shift_right_arithmetic3A_280 : i32 to vector<1024x1xi32>
    %shift_right_arithmetic3A_282 = arith.shrsi %select_n3A_276, %shift_right_arithmetic3A_281 : vector<1024x1xi32>
    %add3A_283 = arith.addi %shift_right_arithmetic3A_279, %shift_right_arithmetic3A_282 : vector<1024x1xi32>
    %and3A_284 = arith.andi %select_n3A_275, %select_n3A_276 : vector<1024x1xi32>
    %and3A_285 = arith.constant 1 : i32
    %and3A_286 = vector.broadcast %and3A_285 : i32 to vector<1024x1xi32>
    %and3A_287 = arith.andi %and3A_284, %and3A_286 : vector<1024x1xi32>
    %add3A_288 = arith.addi %add3A_283, %and3A_287 : vector<1024x1xi32>
    %ge3A_289 = vector.broadcast %add3A_288 : vector<1024x1xi32> to vector<1024x512xi32>
    %ge3A_290 = arith.cmpi sge, %xor3A, %ge3A_289 : vector<1024x512xi32>
    %convert_element_type3A_291 = arith.extui %ge3A_290 : vector<1024x512xi1> to vector<1024x512xi32>
    %reduce_sum3A_292 = arith.constant dense<0> : vector<1024xi32>
    %reduce_sum3A_293 = vector.multi_reduction <add>, %convert_element_type3A_291, %reduce_sum3A_292 [1] : vector<1024x512xi32> to vector<1024xi32>
    %broadcast_in_dim3A_294 = vector.shape_cast %reduce_sum3A_293 : vector<1024xi32> to vector<1024x1xi32>
    %ge3A_295 = arith.cmpi sge, %broadcast_in_dim3A_294, %get3A_4 : vector<1024x1xi32>
    %select_n3A_296 = arith.select %ge3A_295, %add3A_288, %select_n3A_275 : vector<1024x1xi1>, vector<1024x1xi32>
    %select_n3A_297 = arith.select %ge3A_295, %select_n3A_276, %add3A_288 : vector<1024x1xi1>, vector<1024x1xi32>
    %shift_right_arithmetic3A_298 = arith.constant 1 : i32
    %shift_right_arithmetic3A_299 = vector.broadcast %shift_right_arithmetic3A_298 : i32 to vector<1024x1xi32>
    %shift_right_arithmetic3A_300 = arith.shrsi %select_n3A_296, %shift_right_arithmetic3A_299 : vector<1024x1xi32>
    %shift_right_arithmetic3A_301 = arith.constant 1 : i32
    %shift_right_arithmetic3A_302 = vector.broadcast %shift_right_arithmetic3A_301 : i32 to vector<1024x1xi32>
    %shift_right_arithmetic3A_303 = arith.shrsi %select_n3A_297, %shift_right_arithmetic3A_302 : vector<1024x1xi32>
    %add3A_304 = arith.addi %shift_right_arithmetic3A_300, %shift_right_arithmetic3A_303 : vector<1024x1xi32>
    %and3A_305 = arith.andi %select_n3A_296, %select_n3A_297 : vector<1024x1xi32>
    %and3A_306 = arith.constant 1 : i32
    %and3A_307 = vector.broadcast %and3A_306 : i32 to vector<1024x1xi32>
    %and3A_308 = arith.andi %and3A_305, %and3A_307 : vector<1024x1xi32>
    %add3A_309 = arith.addi %add3A_304, %and3A_308 : vector<1024x1xi32>
    %ge3A_310 = vector.broadcast %add3A_309 : vector<1024x1xi32> to vector<1024x512xi32>
    %ge3A_311 = arith.cmpi sge, %xor3A, %ge3A_310 : vector<1024x512xi32>
    %convert_element_type3A_312 = arith.extui %ge3A_311 : vector<1024x512xi1> to vector<1024x512xi32>
    %reduce_sum3A_313 = arith.constant dense<0> : vector<1024xi32>
    %reduce_sum3A_314 = vector.multi_reduction <add>, %convert_element_type3A_312, %reduce_sum3A_313 [1] : vector<1024x512xi32> to vector<1024xi32>
    %broadcast_in_dim3A_315 = vector.shape_cast %reduce_sum3A_314 : vector<1024xi32> to vector<1024x1xi32>
    %ge3A_316 = arith.cmpi sge, %broadcast_in_dim3A_315, %get3A_4 : vector<1024x1xi32>
    %select_n3A_317 = arith.select %ge3A_316, %add3A_309, %select_n3A_296 : vector<1024x1xi1>, vector<1024x1xi32>
    %select_n3A_318 = arith.select %ge3A_316, %select_n3A_297, %add3A_309 : vector<1024x1xi1>, vector<1024x1xi32>
    %shift_right_arithmetic3A_319 = arith.constant 1 : i32
    %shift_right_arithmetic3A_320 = vector.broadcast %shift_right_arithmetic3A_319 : i32 to vector<1024x1xi32>
    %shift_right_arithmetic3A_321 = arith.shrsi %select_n3A_317, %shift_right_arithmetic3A_320 : vector<1024x1xi32>
    %shift_right_arithmetic3A_322 = arith.constant 1 : i32
    %shift_right_arithmetic3A_323 = vector.broadcast %shift_right_arithmetic3A_322 : i32 to vector<1024x1xi32>
    %shift_right_arithmetic3A_324 = arith.shrsi %select_n3A_318, %shift_right_arithmetic3A_323 : vector<1024x1xi32>
    %add3A_325 = arith.addi %shift_right_arithmetic3A_321, %shift_right_arithmetic3A_324 : vector<1024x1xi32>
    %and3A_326 = arith.andi %select_n3A_317, %select_n3A_318 : vector<1024x1xi32>
    %and3A_327 = arith.constant 1 : i32
    %and3A_328 = vector.broadcast %and3A_327 : i32 to vector<1024x1xi32>
    %and3A_329 = arith.andi %and3A_326, %and3A_328 : vector<1024x1xi32>
    %add3A_330 = arith.addi %add3A_325, %and3A_329 : vector<1024x1xi32>
    %ge3A_331 = vector.broadcast %add3A_330 : vector<1024x1xi32> to vector<1024x512xi32>
    %ge3A_332 = arith.cmpi sge, %xor3A, %ge3A_331 : vector<1024x512xi32>
    %convert_element_type3A_333 = arith.extui %ge3A_332 : vector<1024x512xi1> to vector<1024x512xi32>
    %reduce_sum3A_334 = arith.constant dense<0> : vector<1024xi32>
    %reduce_sum3A_335 = vector.multi_reduction <add>, %convert_element_type3A_333, %reduce_sum3A_334 [1] : vector<1024x512xi32> to vector<1024xi32>
    %broadcast_in_dim3A_336 = vector.shape_cast %reduce_sum3A_335 : vector<1024xi32> to vector<1024x1xi32>
    %ge3A_337 = arith.cmpi sge, %broadcast_in_dim3A_336, %get3A_4 : vector<1024x1xi32>
    %select_n3A_338 = arith.select %ge3A_337, %add3A_330, %select_n3A_317 : vector<1024x1xi1>, vector<1024x1xi32>
    %select_n3A_339 = arith.select %ge3A_337, %select_n3A_318, %add3A_330 : vector<1024x1xi1>, vector<1024x1xi32>
    %shift_right_arithmetic3A_340 = arith.constant 1 : i32
    %shift_right_arithmetic3A_341 = vector.broadcast %shift_right_arithmetic3A_340 : i32 to vector<1024x1xi32>
    %shift_right_arithmetic3A_342 = arith.shrsi %select_n3A_338, %shift_right_arithmetic3A_341 : vector<1024x1xi32>
    %shift_right_arithmetic3A_343 = arith.constant 1 : i32
    %shift_right_arithmetic3A_344 = vector.broadcast %shift_right_arithmetic3A_343 : i32 to vector<1024x1xi32>
    %shift_right_arithmetic3A_345 = arith.shrsi %select_n3A_339, %shift_right_arithmetic3A_344 : vector<1024x1xi32>
    %add3A_346 = arith.addi %shift_right_arithmetic3A_342, %shift_right_arithmetic3A_345 : vector<1024x1xi32>
    %and3A_347 = arith.andi %select_n3A_338, %select_n3A_339 : vector<1024x1xi32>
    %and3A_348 = arith.constant 1 : i32
    %and3A_349 = vector.broadcast %and3A_348 : i32 to vector<1024x1xi32>
    %and3A_350 = arith.andi %and3A_347, %and3A_349 : vector<1024x1xi32>
    %add3A_351 = arith.addi %add3A_346, %and3A_350 : vector<1024x1xi32>
    %ge3A_352 = vector.broadcast %add3A_351 : vector<1024x1xi32> to vector<1024x512xi32>
    %ge3A_353 = arith.cmpi sge, %xor3A, %ge3A_352 : vector<1024x512xi32>
    %convert_element_type3A_354 = arith.extui %ge3A_353 : vector<1024x512xi1> to vector<1024x512xi32>
    %reduce_sum3A_355 = arith.constant dense<0> : vector<1024xi32>
    %reduce_sum3A_356 = vector.multi_reduction <add>, %convert_element_type3A_354, %reduce_sum3A_355 [1] : vector<1024x512xi32> to vector<1024xi32>
    %broadcast_in_dim3A_357 = vector.shape_cast %reduce_sum3A_356 : vector<1024xi32> to vector<1024x1xi32>
    %ge3A_358 = arith.cmpi sge, %broadcast_in_dim3A_357, %get3A_4 : vector<1024x1xi32>
    %select_n3A_359 = arith.select %ge3A_358, %add3A_351, %select_n3A_338 : vector<1024x1xi1>, vector<1024x1xi32>
    %select_n3A_360 = arith.select %ge3A_358, %select_n3A_339, %add3A_351 : vector<1024x1xi1>, vector<1024x1xi32>
    %shift_right_arithmetic3A_361 = arith.constant 1 : i32
    %shift_right_arithmetic3A_362 = vector.broadcast %shift_right_arithmetic3A_361 : i32 to vector<1024x1xi32>
    %shift_right_arithmetic3A_363 = arith.shrsi %select_n3A_359, %shift_right_arithmetic3A_362 : vector<1024x1xi32>
    %shift_right_arithmetic3A_364 = arith.constant 1 : i32
    %shift_right_arithmetic3A_365 = vector.broadcast %shift_right_arithmetic3A_364 : i32 to vector<1024x1xi32>
    %shift_right_arithmetic3A_366 = arith.shrsi %select_n3A_360, %shift_right_arithmetic3A_365 : vector<1024x1xi32>
    %add3A_367 = arith.addi %shift_right_arithmetic3A_363, %shift_right_arithmetic3A_366 : vector<1024x1xi32>
    %and3A_368 = arith.andi %select_n3A_359, %select_n3A_360 : vector<1024x1xi32>
    %and3A_369 = arith.constant 1 : i32
    %and3A_370 = vector.broadcast %and3A_369 : i32 to vector<1024x1xi32>
    %and3A_371 = arith.andi %and3A_368, %and3A_370 : vector<1024x1xi32>
    %add3A_372 = arith.addi %add3A_367, %and3A_371 : vector<1024x1xi32>
    %ge3A_373 = vector.broadcast %add3A_372 : vector<1024x1xi32> to vector<1024x512xi32>
    %ge3A_374 = arith.cmpi sge, %xor3A, %ge3A_373 : vector<1024x512xi32>
    %convert_element_type3A_375 = arith.extui %ge3A_374 : vector<1024x512xi1> to vector<1024x512xi32>
    %reduce_sum3A_376 = arith.constant dense<0> : vector<1024xi32>
    %reduce_sum3A_377 = vector.multi_reduction <add>, %convert_element_type3A_375, %reduce_sum3A_376 [1] : vector<1024x512xi32> to vector<1024xi32>
    %broadcast_in_dim3A_378 = vector.shape_cast %reduce_sum3A_377 : vector<1024xi32> to vector<1024x1xi32>
    %ge3A_379 = arith.cmpi sge, %broadcast_in_dim3A_378, %get3A_4 : vector<1024x1xi32>
    %select_n3A_380 = arith.select %ge3A_379, %add3A_372, %select_n3A_359 : vector<1024x1xi1>, vector<1024x1xi32>
    %select_n3A_381 = arith.select %ge3A_379, %select_n3A_360, %add3A_372 : vector<1024x1xi1>, vector<1024x1xi32>
    %shift_right_arithmetic3A_382 = arith.constant 1 : i32
    %shift_right_arithmetic3A_383 = vector.broadcast %shift_right_arithmetic3A_382 : i32 to vector<1024x1xi32>
    %shift_right_arithmetic3A_384 = arith.shrsi %select_n3A_380, %shift_right_arithmetic3A_383 : vector<1024x1xi32>
    %shift_right_arithmetic3A_385 = arith.constant 1 : i32
    %shift_right_arithmetic3A_386 = vector.broadcast %shift_right_arithmetic3A_385 : i32 to vector<1024x1xi32>
    %shift_right_arithmetic3A_387 = arith.shrsi %select_n3A_381, %shift_right_arithmetic3A_386 : vector<1024x1xi32>
    %add3A_388 = arith.addi %shift_right_arithmetic3A_384, %shift_right_arithmetic3A_387 : vector<1024x1xi32>
    %and3A_389 = arith.andi %select_n3A_380, %select_n3A_381 : vector<1024x1xi32>
    %and3A_390 = arith.constant 1 : i32
    %and3A_391 = vector.broadcast %and3A_390 : i32 to vector<1024x1xi32>
    %and3A_392 = arith.andi %and3A_389, %and3A_391 : vector<1024x1xi32>
    %add3A_393 = arith.addi %add3A_388, %and3A_392 : vector<1024x1xi32>
    %ge3A_394 = vector.broadcast %add3A_393 : vector<1024x1xi32> to vector<1024x512xi32>
    %ge3A_395 = arith.cmpi sge, %xor3A, %ge3A_394 : vector<1024x512xi32>
    %convert_element_type3A_396 = arith.extui %ge3A_395 : vector<1024x512xi1> to vector<1024x512xi32>
    %reduce_sum3A_397 = arith.constant dense<0> : vector<1024xi32>
    %reduce_sum3A_398 = vector.multi_reduction <add>, %convert_element_type3A_396, %reduce_sum3A_397 [1] : vector<1024x512xi32> to vector<1024xi32>
    %broadcast_in_dim3A_399 = vector.shape_cast %reduce_sum3A_398 : vector<1024xi32> to vector<1024x1xi32>
    %ge3A_400 = arith.cmpi sge, %broadcast_in_dim3A_399, %get3A_4 : vector<1024x1xi32>
    %select_n3A_401 = arith.select %ge3A_400, %add3A_393, %select_n3A_380 : vector<1024x1xi1>, vector<1024x1xi32>
    %select_n3A_402 = arith.select %ge3A_400, %select_n3A_381, %add3A_393 : vector<1024x1xi1>, vector<1024x1xi32>
    %shift_right_arithmetic3A_403 = arith.constant 1 : i32
    %shift_right_arithmetic3A_404 = vector.broadcast %shift_right_arithmetic3A_403 : i32 to vector<1024x1xi32>
    %shift_right_arithmetic3A_405 = arith.shrsi %select_n3A_401, %shift_right_arithmetic3A_404 : vector<1024x1xi32>
    %shift_right_arithmetic3A_406 = arith.constant 1 : i32
    %shift_right_arithmetic3A_407 = vector.broadcast %shift_right_arithmetic3A_406 : i32 to vector<1024x1xi32>
    %shift_right_arithmetic3A_408 = arith.shrsi %select_n3A_402, %shift_right_arithmetic3A_407 : vector<1024x1xi32>
    %add3A_409 = arith.addi %shift_right_arithmetic3A_405, %shift_right_arithmetic3A_408 : vector<1024x1xi32>
    %and3A_410 = arith.andi %select_n3A_401, %select_n3A_402 : vector<1024x1xi32>
    %and3A_411 = arith.constant 1 : i32
    %and3A_412 = vector.broadcast %and3A_411 : i32 to vector<1024x1xi32>
    %and3A_413 = arith.andi %and3A_410, %and3A_412 : vector<1024x1xi32>
    %add3A_414 = arith.addi %add3A_409, %and3A_413 : vector<1024x1xi32>
    %ge3A_415 = vector.broadcast %add3A_414 : vector<1024x1xi32> to vector<1024x512xi32>
    %ge3A_416 = arith.cmpi sge, %xor3A, %ge3A_415 : vector<1024x512xi32>
    %convert_element_type3A_417 = arith.extui %ge3A_416 : vector<1024x512xi1> to vector<1024x512xi32>
    %reduce_sum3A_418 = arith.constant dense<0> : vector<1024xi32>
    %reduce_sum3A_419 = vector.multi_reduction <add>, %convert_element_type3A_417, %reduce_sum3A_418 [1] : vector<1024x512xi32> to vector<1024xi32>
    %broadcast_in_dim3A_420 = vector.shape_cast %reduce_sum3A_419 : vector<1024xi32> to vector<1024x1xi32>
    %ge3A_421 = arith.cmpi sge, %broadcast_in_dim3A_420, %get3A_4 : vector<1024x1xi32>
    %select_n3A_422 = arith.select %ge3A_421, %add3A_414, %select_n3A_401 : vector<1024x1xi1>, vector<1024x1xi32>
    %select_n3A_423 = arith.select %ge3A_421, %select_n3A_402, %add3A_414 : vector<1024x1xi1>, vector<1024x1xi32>
    %shift_right_arithmetic3A_424 = arith.constant 1 : i32
    %shift_right_arithmetic3A_425 = vector.broadcast %shift_right_arithmetic3A_424 : i32 to vector<1024x1xi32>
    %shift_right_arithmetic3A_426 = arith.shrsi %select_n3A_422, %shift_right_arithmetic3A_425 : vector<1024x1xi32>
    %shift_right_arithmetic3A_427 = arith.constant 1 : i32
    %shift_right_arithmetic3A_428 = vector.broadcast %shift_right_arithmetic3A_427 : i32 to vector<1024x1xi32>
    %shift_right_arithmetic3A_429 = arith.shrsi %select_n3A_423, %shift_right_arithmetic3A_428 : vector<1024x1xi32>
    %add3A_430 = arith.addi %shift_right_arithmetic3A_426, %shift_right_arithmetic3A_429 : vector<1024x1xi32>
    %and3A_431 = arith.andi %select_n3A_422, %select_n3A_423 : vector<1024x1xi32>
    %and3A_432 = arith.constant 1 : i32
    %and3A_433 = vector.broadcast %and3A_432 : i32 to vector<1024x1xi32>
    %and3A_434 = arith.andi %and3A_431, %and3A_433 : vector<1024x1xi32>
    %add3A_435 = arith.addi %add3A_430, %and3A_434 : vector<1024x1xi32>
    %ge3A_436 = vector.broadcast %add3A_435 : vector<1024x1xi32> to vector<1024x512xi32>
    %ge3A_437 = arith.cmpi sge, %xor3A, %ge3A_436 : vector<1024x512xi32>
    %convert_element_type3A_438 = arith.extui %ge3A_437 : vector<1024x512xi1> to vector<1024x512xi32>
    %reduce_sum3A_439 = arith.constant dense<0> : vector<1024xi32>
    %reduce_sum3A_440 = vector.multi_reduction <add>, %convert_element_type3A_438, %reduce_sum3A_439 [1] : vector<1024x512xi32> to vector<1024xi32>
    %broadcast_in_dim3A_441 = vector.shape_cast %reduce_sum3A_440 : vector<1024xi32> to vector<1024x1xi32>
    %ge3A_442 = arith.cmpi sge, %broadcast_in_dim3A_441, %get3A_4 : vector<1024x1xi32>
    %select_n3A_443 = arith.select %ge3A_442, %add3A_435, %select_n3A_422 : vector<1024x1xi1>, vector<1024x1xi32>
    %select_n3A_444 = arith.select %ge3A_442, %select_n3A_423, %add3A_435 : vector<1024x1xi1>, vector<1024x1xi32>
    %shift_right_arithmetic3A_445 = arith.constant 1 : i32
    %shift_right_arithmetic3A_446 = vector.broadcast %shift_right_arithmetic3A_445 : i32 to vector<1024x1xi32>
    %shift_right_arithmetic3A_447 = arith.shrsi %select_n3A_443, %shift_right_arithmetic3A_446 : vector<1024x1xi32>
    %shift_right_arithmetic3A_448 = arith.constant 1 : i32
    %shift_right_arithmetic3A_449 = vector.broadcast %shift_right_arithmetic3A_448 : i32 to vector<1024x1xi32>
    %shift_right_arithmetic3A_450 = arith.shrsi %select_n3A_444, %shift_right_arithmetic3A_449 : vector<1024x1xi32>
    %add3A_451 = arith.addi %shift_right_arithmetic3A_447, %shift_right_arithmetic3A_450 : vector<1024x1xi32>
    %and3A_452 = arith.andi %select_n3A_443, %select_n3A_444 : vector<1024x1xi32>
    %and3A_453 = arith.constant 1 : i32
    %and3A_454 = vector.broadcast %and3A_453 : i32 to vector<1024x1xi32>
    %and3A_455 = arith.andi %and3A_452, %and3A_454 : vector<1024x1xi32>
    %add3A_456 = arith.addi %add3A_451, %and3A_455 : vector<1024x1xi32>
    %ge3A_457 = vector.broadcast %add3A_456 : vector<1024x1xi32> to vector<1024x512xi32>
    %ge3A_458 = arith.cmpi sge, %xor3A, %ge3A_457 : vector<1024x512xi32>
    %convert_element_type3A_459 = arith.extui %ge3A_458 : vector<1024x512xi1> to vector<1024x512xi32>
    %reduce_sum3A_460 = arith.constant dense<0> : vector<1024xi32>
    %reduce_sum3A_461 = vector.multi_reduction <add>, %convert_element_type3A_459, %reduce_sum3A_460 [1] : vector<1024x512xi32> to vector<1024xi32>
    %broadcast_in_dim3A_462 = vector.shape_cast %reduce_sum3A_461 : vector<1024xi32> to vector<1024x1xi32>
    %ge3A_463 = arith.cmpi sge, %broadcast_in_dim3A_462, %get3A_4 : vector<1024x1xi32>
    %select_n3A_464 = arith.select %ge3A_463, %add3A_456, %select_n3A_443 : vector<1024x1xi1>, vector<1024x1xi32>
    %select_n3A_465 = arith.select %ge3A_463, %select_n3A_444, %add3A_456 : vector<1024x1xi1>, vector<1024x1xi32>
    %shift_right_arithmetic3A_466 = arith.constant 1 : i32
    %shift_right_arithmetic3A_467 = vector.broadcast %shift_right_arithmetic3A_466 : i32 to vector<1024x1xi32>
    %shift_right_arithmetic3A_468 = arith.shrsi %select_n3A_464, %shift_right_arithmetic3A_467 : vector<1024x1xi32>
    %shift_right_arithmetic3A_469 = arith.constant 1 : i32
    %shift_right_arithmetic3A_470 = vector.broadcast %shift_right_arithmetic3A_469 : i32 to vector<1024x1xi32>
    %shift_right_arithmetic3A_471 = arith.shrsi %select_n3A_465, %shift_right_arithmetic3A_470 : vector<1024x1xi32>
    %add3A_472 = arith.addi %shift_right_arithmetic3A_468, %shift_right_arithmetic3A_471 : vector<1024x1xi32>
    %and3A_473 = arith.andi %select_n3A_464, %select_n3A_465 : vector<1024x1xi32>
    %and3A_474 = arith.constant 1 : i32
    %and3A_475 = vector.broadcast %and3A_474 : i32 to vector<1024x1xi32>
    %and3A_476 = arith.andi %and3A_473, %and3A_475 : vector<1024x1xi32>
    %add3A_477 = arith.addi %add3A_472, %and3A_476 : vector<1024x1xi32>
    %ge3A_478 = vector.broadcast %add3A_477 : vector<1024x1xi32> to vector<1024x512xi32>
    %ge3A_479 = arith.cmpi sge, %xor3A, %ge3A_478 : vector<1024x512xi32>
    %convert_element_type3A_480 = arith.extui %ge3A_479 : vector<1024x512xi1> to vector<1024x512xi32>
    %reduce_sum3A_481 = arith.constant dense<0> : vector<1024xi32>
    %reduce_sum3A_482 = vector.multi_reduction <add>, %convert_element_type3A_480, %reduce_sum3A_481 [1] : vector<1024x512xi32> to vector<1024xi32>
    %broadcast_in_dim3A_483 = vector.shape_cast %reduce_sum3A_482 : vector<1024xi32> to vector<1024x1xi32>
    %ge3A_484 = arith.cmpi sge, %broadcast_in_dim3A_483, %get3A_4 : vector<1024x1xi32>
    %select_n3A_485 = arith.select %ge3A_484, %add3A_477, %select_n3A_464 : vector<1024x1xi1>, vector<1024x1xi32>
    %select_n3A_486 = arith.select %ge3A_484, %select_n3A_465, %add3A_477 : vector<1024x1xi1>, vector<1024x1xi32>
    %shift_right_arithmetic3A_487 = arith.constant 1 : i32
    %shift_right_arithmetic3A_488 = vector.broadcast %shift_right_arithmetic3A_487 : i32 to vector<1024x1xi32>
    %shift_right_arithmetic3A_489 = arith.shrsi %select_n3A_485, %shift_right_arithmetic3A_488 : vector<1024x1xi32>
    %shift_right_arithmetic3A_490 = arith.constant 1 : i32
    %shift_right_arithmetic3A_491 = vector.broadcast %shift_right_arithmetic3A_490 : i32 to vector<1024x1xi32>
    %shift_right_arithmetic3A_492 = arith.shrsi %select_n3A_486, %shift_right_arithmetic3A_491 : vector<1024x1xi32>
    %add3A_493 = arith.addi %shift_right_arithmetic3A_489, %shift_right_arithmetic3A_492 : vector<1024x1xi32>
    %and3A_494 = arith.andi %select_n3A_485, %select_n3A_486 : vector<1024x1xi32>
    %and3A_495 = arith.constant 1 : i32
    %and3A_496 = vector.broadcast %and3A_495 : i32 to vector<1024x1xi32>
    %and3A_497 = arith.andi %and3A_494, %and3A_496 : vector<1024x1xi32>
    %add3A_498 = arith.addi %add3A_493, %and3A_497 : vector<1024x1xi32>
    %ge3A_499 = vector.broadcast %add3A_498 : vector<1024x1xi32> to vector<1024x512xi32>
    %ge3A_500 = arith.cmpi sge, %xor3A, %ge3A_499 : vector<1024x512xi32>
    %convert_element_type3A_501 = arith.extui %ge3A_500 : vector<1024x512xi1> to vector<1024x512xi32>
    %reduce_sum3A_502 = arith.constant dense<0> : vector<1024xi32>
    %reduce_sum3A_503 = vector.multi_reduction <add>, %convert_element_type3A_501, %reduce_sum3A_502 [1] : vector<1024x512xi32> to vector<1024xi32>
    %broadcast_in_dim3A_504 = vector.shape_cast %reduce_sum3A_503 : vector<1024xi32> to vector<1024x1xi32>
    %ge3A_505 = arith.cmpi sge, %broadcast_in_dim3A_504, %get3A_4 : vector<1024x1xi32>
    %select_n3A_506 = arith.select %ge3A_505, %add3A_498, %select_n3A_485 : vector<1024x1xi1>, vector<1024x1xi32>
    %select_n3A_507 = arith.select %ge3A_505, %select_n3A_486, %add3A_498 : vector<1024x1xi1>, vector<1024x1xi32>
    %shift_right_arithmetic3A_508 = arith.constant 1 : i32
    %shift_right_arithmetic3A_509 = vector.broadcast %shift_right_arithmetic3A_508 : i32 to vector<1024x1xi32>
    %shift_right_arithmetic3A_510 = arith.shrsi %select_n3A_506, %shift_right_arithmetic3A_509 : vector<1024x1xi32>
    %shift_right_arithmetic3A_511 = arith.constant 1 : i32
    %shift_right_arithmetic3A_512 = vector.broadcast %shift_right_arithmetic3A_511 : i32 to vector<1024x1xi32>
    %shift_right_arithmetic3A_513 = arith.shrsi %select_n3A_507, %shift_right_arithmetic3A_512 : vector<1024x1xi32>
    %add3A_514 = arith.addi %shift_right_arithmetic3A_510, %shift_right_arithmetic3A_513 : vector<1024x1xi32>
    %and3A_515 = arith.andi %select_n3A_506, %select_n3A_507 : vector<1024x1xi32>
    %and3A_516 = arith.constant 1 : i32
    %and3A_517 = vector.broadcast %and3A_516 : i32 to vector<1024x1xi32>
    %and3A_518 = arith.andi %and3A_515, %and3A_517 : vector<1024x1xi32>
    %add3A_519 = arith.addi %add3A_514, %and3A_518 : vector<1024x1xi32>
    %ge3A_520 = vector.broadcast %add3A_519 : vector<1024x1xi32> to vector<1024x512xi32>
    %ge3A_521 = arith.cmpi sge, %xor3A, %ge3A_520 : vector<1024x512xi32>
    %convert_element_type3A_522 = arith.extui %ge3A_521 : vector<1024x512xi1> to vector<1024x512xi32>
    %reduce_sum3A_523 = arith.constant dense<0> : vector<1024xi32>
    %reduce_sum3A_524 = vector.multi_reduction <add>, %convert_element_type3A_522, %reduce_sum3A_523 [1] : vector<1024x512xi32> to vector<1024xi32>
    %broadcast_in_dim3A_525 = vector.shape_cast %reduce_sum3A_524 : vector<1024xi32> to vector<1024x1xi32>
    %ge3A_526 = arith.cmpi sge, %broadcast_in_dim3A_525, %get3A_4 : vector<1024x1xi32>
    %select_n3A_527 = arith.select %ge3A_526, %add3A_519, %select_n3A_506 : vector<1024x1xi1>, vector<1024x1xi32>
    %select_n3A_528 = arith.select %ge3A_526, %select_n3A_507, %add3A_519 : vector<1024x1xi1>, vector<1024x1xi32>
    %shift_right_arithmetic3A_529 = arith.constant 1 : i32
    %shift_right_arithmetic3A_530 = vector.broadcast %shift_right_arithmetic3A_529 : i32 to vector<1024x1xi32>
    %shift_right_arithmetic3A_531 = arith.shrsi %select_n3A_527, %shift_right_arithmetic3A_530 : vector<1024x1xi32>
    %shift_right_arithmetic3A_532 = arith.constant 1 : i32
    %shift_right_arithmetic3A_533 = vector.broadcast %shift_right_arithmetic3A_532 : i32 to vector<1024x1xi32>
    %shift_right_arithmetic3A_534 = arith.shrsi %select_n3A_528, %shift_right_arithmetic3A_533 : vector<1024x1xi32>
    %add3A_535 = arith.addi %shift_right_arithmetic3A_531, %shift_right_arithmetic3A_534 : vector<1024x1xi32>
    %and3A_536 = arith.andi %select_n3A_527, %select_n3A_528 : vector<1024x1xi32>
    %and3A_537 = arith.constant 1 : i32
    %and3A_538 = vector.broadcast %and3A_537 : i32 to vector<1024x1xi32>
    %and3A_539 = arith.andi %and3A_536, %and3A_538 : vector<1024x1xi32>
    %add3A_540 = arith.addi %add3A_535, %and3A_539 : vector<1024x1xi32>
    %ge3A_541 = vector.broadcast %add3A_540 : vector<1024x1xi32> to vector<1024x512xi32>
    %ge3A_542 = arith.cmpi sge, %xor3A, %ge3A_541 : vector<1024x512xi32>
    %convert_element_type3A_543 = arith.extui %ge3A_542 : vector<1024x512xi1> to vector<1024x512xi32>
    %reduce_sum3A_544 = arith.constant dense<0> : vector<1024xi32>
    %reduce_sum3A_545 = vector.multi_reduction <add>, %convert_element_type3A_543, %reduce_sum3A_544 [1] : vector<1024x512xi32> to vector<1024xi32>
    %broadcast_in_dim3A_546 = vector.shape_cast %reduce_sum3A_545 : vector<1024xi32> to vector<1024x1xi32>
    %ge3A_547 = arith.cmpi sge, %broadcast_in_dim3A_546, %get3A_4 : vector<1024x1xi32>
    %select_n3A_548 = arith.select %ge3A_547, %add3A_540, %select_n3A_527 : vector<1024x1xi1>, vector<1024x1xi32>
    %gt3A = vector.broadcast %select_n3A_548 : vector<1024x1xi32> to vector<1024x512xi32>
    %gt3A_549 = arith.cmpi sgt, %xor3A, %gt3A : vector<1024x512xi32>
    %eq3A_550 = vector.broadcast %select_n3A_548 : vector<1024x1xi32> to vector<1024x512xi32>
    %eq3A_551 = arith.cmpi eq, %xor3A, %eq3A_550 : vector<1024x512xi32>
    %convert_element_type3A_552 = arith.extui %gt3A_549 : vector<1024x512xi1> to vector<1024x512xi32>
    %reduce_sum3A_553 = arith.constant dense<0> : vector<1024xi32>
    %reduce_sum3A_554 = vector.multi_reduction <add>, %convert_element_type3A_552, %reduce_sum3A_553 [1] : vector<1024x512xi32> to vector<1024xi32>
    %broadcast_in_dim3A_555 = vector.shape_cast %reduce_sum3A_554 : vector<1024xi32> to vector<1024x1xi32>
    %convert_element_type3A_556 = arith.extui %eq3A_551 : vector<1024x512xi1> to vector<1024x512xi32>
    %convert_element_type3A_557 = arith.sitofp %convert_element_type3A_556 : vector<1024x512xi32> to vector<1024x512xf32>
    %iota3A = tpu.iota {dimensions = array<i32: 0>} : vector<512x512xi32>
    %iota3A_558 = tpu.iota {dimensions = array<i32: 1>} : vector<512x512xi32>
    %lt3A = arith.cmpi slt, %iota3A, %iota3A_558 : vector<512x512xi32>
    %convert_element_type3A_559 = arith.extui %lt3A : vector<512x512xi1> to vector<512x512xi32>
    %convert_element_type3A_560 = arith.sitofp %convert_element_type3A_559 : vector<512x512xi32> to vector<512x512xf32>
    %dot_general3A = arith.constant dense<0.000000e+00> : vector<1024x512xf32>
    %dot_general3A_561 = tpu.matmul %convert_element_type3A_557, %convert_element_type3A_560, %dot_general3A {dimension_numbers = #tpu.dot_dimension_numbers<[1], [0], [0], [1], [0, 0, 1, 1], [], []>, transpose_lhs_hint = false} : vector<1024x512xf32>, vector<512x512xf32>, vector<1024x512xf32> -> vector<1024x512xf32>
    %convert_element_type3A_562 = arith.fptosi %dot_general3A_561 : vector<1024x512xf32> to vector<1024x512xi32>
    %add3A_563 = vector.broadcast %broadcast_in_dim3A_555 : vector<1024x1xi32> to vector<1024x512xi32>
    %add3A_564 = arith.addi %add3A_563, %convert_element_type3A_562 : vector<1024x512xi32>
    %lt3A_565 = vector.broadcast %get3A_4 : vector<1024x1xi32> to vector<1024x512xi32>
    %lt3A_566 = arith.cmpi slt, %add3A_564, %lt3A_565 : vector<1024x512xi32>
    %and3A_567 = arith.andi %eq3A_551, %lt3A_566 : vector<1024x512xi1>
    %or3A = arith.ori %gt3A_549, %and3A_567 : vector<1024x512xi1>
    %convert_element_type3A_568 = arith.extui %or3A : vector<1024x512xi1> to vector<1024x512xi32>
    %convert_element_type3A_569 = arith.sitofp %convert_element_type3A_568 : vector<1024x512xi32> to vector<1024x512xf32>
    %get3A_570 = arith.constant 0 : index
    %get3A_571 = arith.constant 0 : index
    %get3A_572 = vector.load %arg4[%get3A_570, %get3A_571] : memref<512x64xf32, #tpu.memory_space<vmem>>, vector<512x64xf32>
    %dot_general3A_573 = arith.constant dense<0.000000e+00> : vector<1024x64xf32>
    %dot_general3A_574 = tpu.matmul %convert_element_type3A_569, %get3A_572, %dot_general3A_573 {dimension_numbers = #tpu.dot_dimension_numbers<[1], [0], [0], [1], [0, 0, 1, 1], [], []>, transpose_lhs_hint = false} : vector<1024x512xf32>, vector<512x64xf32>, vector<1024x64xf32> -> vector<1024x64xf32>
    %swap3A = arith.constant 0 : index
    %swap3A_575 = arith.constant 0 : index
    %swap3A_576 = vector.load %arg5[%swap3A, %swap3A_575] : memref<1024x64xf32, #tpu.memory_space<vmem>>, vector<1024x64xf32>
    tpu.vector_store %arg5[%swap3A, %swap3A_575], %dot_general3A_574 {strides = array<i32>} : memref<1024x64xf32, #tpu.memory_space<vmem>>, vector<1024x64xf32>,
    return
  }
  func.func @transform_0(%arg0: i32) -> (i32, i32) {
    %c0_i32 = arith.constant 0 : i32
    %c0_i32_0 = arith.constant 0 : i32
    return %arg0, %c0_i32 : i32, i32
  }
  func.func @transform_1(%arg0: i32) -> (i32, i32) {
    %c0_i32 = arith.constant 0 : i32
    %c0_i32_0 = arith.constant 0 : i32
    return %arg0, %c0_i32 : i32, i32
  }
  func.func @transform_2(%arg0: i32) -> (i32, i32) {
    %c0_i32 = arith.constant 0 : i32
    %c0_i32_0 = arith.constant 0 : i32
    return %arg0, %c0_i32 : i32, i32
  }
  func.func @transform_3(%arg0: i32) -> (i32, i32) {
    %c0_i32 = arith.constant 0 : i32
    %c0_i32_0 = arith.constant 0 : i32
    %c0_i32_1 = arith.constant 0 : i32
    return %c0_i32, %c0_i32_0 : i32, i32
  }
  func.func @transform_4(%arg0: i32) -> (i32, i32) {
    %c0_i32 = arith.constant 0 : i32
    %c0_i32_0 = arith.constant 0 : i32
    return %arg0, %c0_i32 : i32, i32
  }
}

</mosaic_0001>

<sc_bundles>
// kernel: kernel.5.cloned.1.call-start
scs
__scs_entry_jumppad:
0x0: {  	(pc) =	sbr.rel $0x88, $3  }
0x1: {  	(tag) =	ssettag $0x0;
	lr =	simm.s32 $0x1  }
0x2: {  	[smem:$0x3F9C] =	sst lr;
	_ =	strace $0xD0000000  }
0x3: {  	_ = 	snop  }
0x4: {  	_ = 	snop  }
0x5: {  	_ = 	snop  }
0x6: {  	_ = 	snop  }
0x7: {  	_ = 	snop  }
__scs_overlays_trampoline_lowered:
0x8: {  	[smem:$0x3FAB] =	sst s0  }
0x9: {  	[smem:$0x3FAC] =	sst s1  }
0xa: {  	[smem:$0x3FAD] =	sst s2  }
0xb: {  	[smem:$0x3FAE] =	sst s3  }
0xc: {  	[smem:$0x3FAF] =	sst s4  }
0xd: {  	[smem:$0x3FB0] =	sst s5  }
0xe: {  	[smem:$0x3FB1] =	sst s6  }
0xf: {  	[smem:$0x3FB2] =	sst s7  }
0x10: {  	[smem:$0x3FB3] =	sst s8  }
0x11: {  	[smem:$0x3FB4] =	sst s9;
	s0 =	simm.s32 @!p0 $0x0  }
0x12: {  	s1 =	sld [smem:$0x3F9A];
	s0 =	simm.s32 @p0 $0x1  }
0x13: {  	[smem:$0x3FB5] =	sst s0;
	s0 =	simm.s32 @!p1 $0x0  }
0x14: {  	s2 =	sld [smem:$0x3F99];
	s0 =	simm.s32 @p1 $0x1  }
0x15: {  	[smem:$0x3FB6] =	sst s0;
	s0 =	simm.s32 @!p2 $0x0  }
0x16: {  	s3 =	sld [smem:$0x3FDB];
	s0 =	simm.s32 @p2 $0x1  }
0x17: {  	s4 =	simm.s32 $0x1BF5;
	[smem:$0x3FB8] =	sst s0  }
0x18: {  	s0 =	sld [smem:$0x3F9B];
	_ =	swait.ge [sflag:s4], $0x0  }
0x19: {  	s7 =	sld [smem:$0x3F9C]  }
0x1a: {  	s8 =	sadd.s32 $0xFFFFE003, lr  }
0x1b: {  	s9 =	sadd.s32 $0xFFFFFEF7, lr;
	s5 =	simm.s32 $0xFFFFFFFF;
	p2 =	slt.u32 s8, $0xFFFFF086  }
0x1c: {  	p1 =	slt.u32 s9, $0xF7A;
	s5 =	simm.s32 @!p2 $0x0  }
0x1d: {  	s5 =	simm.s32 @p1 $0x1;
	p0 =	seq.s32 s7, s2  }
0x1e: {  	s7 =	smul.u32 @!p0 $0xF7A, s2;
	p2 =	seq.s32 @!p0 s5, $0x0  }
0x1f: {  	s9 =	smul.u32 $0xF7A, s1;
	s8 =	simm.s32 @!p0 $0x1BF5;
	p2 =	por !p2, p0  }
0x20: {  	[sflag:s8] =	ssyncset.s32 @!p0 $0xFFFFF086;
	s6 =	sadd.s32 @!p0 s3, s7;
	s7 =	simm.s32 @!p0 $0x108  }
0x21: {  	s3 =	sadd.s32 s3, s9;
	s6 =	sadd.s32 @!p0 $0x88, s6;
	s7 =	simm.s32 @p2 $0x1082  }
0x22: {  	[simem:s7], [sflag:s8] =	dma.local @!p0 [hbm:s6], $0xF7A  }
0x23: {  	s9 =	sor.u32 $0xD0000000, s2;
	s6 =	simm.s32 $0x108;
	_ =	swait.ge @!p0 [sflag:s8], $0x0  }
0x24: {  	s3 =	sadd.s32 $0x88, s3;
	s6 =	simm.s32 @!p1 $0x1082;
	[sflag:s4] =	ssyncset.s32 $0xFFFFF086  }
0x25: {  	[simem:s6], [sflag:s4] =	dma.local [hbm:s3], $0xF7A  }
0x26: {  	[smem:$0x3F9C] =	sst s1;
	(tag) =	ssettag s2;
	_ =	strace s9  }
0x27: {  	s1 =	sld [smem:$0x3FAC]  }
0x28: {  	s2 =	sld [smem:$0x3FAD]  }
0x29: {  	s4 =	sld [smem:$0x3FAF]  }
0x2a: {  	p0 =	seq.s32 s5, $0x0;
	s5 =	sld [smem:$0x3FB0]  }
0x2b: {  	s6 =	sld [smem:$0x3FB1]  }
0x2c: {  	s7 =	sld [smem:$0x3FB2]  }
0x2d: {  	s3 =	simm.s32 $0x108;
	s8 =	sld [smem:$0x3FB3]  }
0x2e: {  	s3 =	simm.s32 @!p0 $0x1082;
	s9 =	sld [smem:$0x3FB4]  }
0x2f: {  	lr =	sadd.s32 s0, s3;
	s0 =	sld [smem:$0x3FAB]  }
0x30: {  	s3 =	sld [smem:$0x3FAE]  }
0x31: {  	[smem:$0x3FB7] =	sst s10  }
0x32: {  	s10 =	sld [smem:$0x3FB5];
	_ =	sdelay $0x3  }
0x33: {  	p0 =	seq.s32 s10, $0x1;
	s10 =	sld [smem:$0x3FB7];
	_ =	sdelay $0x3  }
0x34: {  	[smem:$0x3FB7] =	sst s10  }
0x35: {  	s10 =	sld [smem:$0x3FB6];
	_ =	sdelay $0x3  }
0x36: {  	p1 =	seq.s32 s10, $0x1;
	s10 =	sld [smem:$0x3FB7];
	_ =	sdelay $0x3  }
0x37: {  	[smem:$0x3FB7] =	sst s10  }
0x38: {  	s10 =	sld [smem:$0x3FB8]  }
0x39: {  	_ = 	snop;
	(pc) =	sbr.ind lr, $3  }
0x3a: {  	_ = 	snop  }
0x3b: {  	_ = 	snop  }
0x3c: {  	p2 =	seq.s32 s10, $0x1;
	s10 =	sld [smem:$0x3FB7]  }
0x3d: {  	_ =	shalt  }
0x3e: {  	_ =	shalt  }
0x3f: {  	_ =	shalt  }
0x40: {  	_ =	shalt  }
0x41: {  	_ =	shalt  }
0x42: {  	_ =	shalt  }
0x43: {  	_ =	shalt  }
0x44: {  	_ =	shalt  }
0x45: {  	_ =	shalt  }
0x46: {  	_ =	shalt  }
0x47: {  	_ =	shalt  }
0x48: {  	_ =	shalt  }
0x49: {  	_ =	shalt  }
0x4a: {  	_ =	shalt  }
0x4b: {  	_ =	shalt  }
0x4c: {  	_ =	shalt  }
0x4d: {  	_ =	shalt  }
0x4e: {  	_ =	shalt  }
0x4f: {  	_ =	shalt  }
0x50: {  	_ =	shalt  }
0x51: {  	_ =	shalt  }
0x52: {  	_ =	shalt  }
0x53: {  	_ =	shalt  }
0x54: {  	_ =	shalt  }
0x55: {  	_ =	shalt  }
0x56: {  	_ =	shalt  }
0x57: {  	_ =	shalt  }
0x58: {  	_ =	shalt  }
0x59: {  	_ =	shalt  }
0x5a: {  	_ =	shalt  }
0x5b: {  	_ =	shalt  }
0x5c: {  	_ =	shalt  }
0x5d: {  	_ =	shalt  }
0x5e: {  	_ =	shalt  }
0x5f: {  	_ =	shalt  }
0x60: {  	_ =	shalt  }
0x61: {  	_ =	shalt  }
0x62: {  	_ =	shalt  }
0x63: {  	_ =	shalt  }
0x64: {  	_ =	shalt  }
0x65: {  	_ =	shalt  }
0x66: {  	_ =	shalt  }
0x67: {  	_ =	shalt  }
0x68: {  	_ =	shalt  }
0x69: {  	_ =	shalt  }
0x6a: {  	_ =	shalt  }
0x6b: {  	_ =	shalt  }
0x6c: {  	_ =	shalt  }
0x6d: {  	_ =	shalt  }
0x6e: {  	_ =	shalt  }
0x6f: {  	_ =	shalt  }
0x70: {  	_ =	shalt  }
0x71: {  	_ =	shalt  }
0x72: {  	_ =	shalt  }
0x73: {  	_ =	shalt  }
0x74: {  	_ =	shalt  }
0x75: {  	_ =	shalt  }
0x76: {  	_ =	shalt  }
0x77: {  	_ =	shalt  }
0x78: {  	_ =	shalt  }
0x79: {  	_ =	shalt  }
0x7a: {  	_ =	shalt  }
0x7b: {  	_ =	shalt  }
0x7c: {  	_ =	shalt  }
0x7d: {  	_ =	shalt  }
0x7e: {  	_ =	shalt  }
0x7f: {  	_ =	shalt  }
0x80: {  	_ =	shalt  }
0x81: {  	_ =	shalt  }
0x82: {  	_ =	shalt  }
0x83: {  	_ =	shalt  }
0x84: {  	_ =	shalt  }
0x85: {  	_ =	shalt  }
0x86: {  	_ =	shalt  }
0x87: {  	_ =	shalt  }
.Lfunc_end0:
.L_simem_size_0:
called_computation_lowered:
.L_overlay_start_0:
0x88: {  	s2 =	sld [smem:$0x3FD9]  }
0x89: {  	s3 =	sld [smem:$0x3FFE];
	_ =	sdelay $0x1  }
0x8a: {  	s1 =	srdreg.scid  }
0x8b: {  	s0 =	sand.u32 $0x1, s1  }
0x8c: {  	s17 =	sshll.u32 s0, $0xA;
	s2 =	sadd.s32 s3, s2  }
0x8d: {  	s2 =	sadd.s32 s2, s17  }
0x8e: {  	[smem:$0x3FC3] =	sst s2  }
0x8f: {  	_ = 	snop  }
0x90: {  	s2 =	sld [smem:$0x3FC9];
	(tm) =	ssettm $0x1  }
0x91: {  	s18 =	sld [smem:$0x3FFB];
	_ =	sdelay $0x3  }
0x92: {  	_ =	strace s18  }
0x93: {  	s3 =	sld [smem:$0x3FFC];
	_ =	sdelay $0x3  }
0x94: {  	_ =	strace s3  }
0x95: {  	s3 =	sld [smem:$0x3FFD];
	_ =	sdelay $0x3  }
0x96: {  	_ =	strace s3  }
0x97: {  	_ =	strace $0x8FFFFFFF  }
0x98: {  	s19 =	sld [smem:$0x3FDB];
	_ =	sdelay $0x1  }
0x99: {  	s4 =	simm.s32 $_scs_section_size  }
0x9a: {  	s5 =	simm.s32 $_size__tile_overlayer_lowered;
	s6 =	simm.s32 $_tile_overlayer_lowered  }
0x9b: {  	s22 =	simm.s32 $0x1BFF;
	s21 =	sshll.u32 s6, $0x1;
	s3 =	sadd.s32 s4, s19  }
0x9c: {  	s7 =	simm.s32 $0x0;
	s20 =	sshll.u32 s5, $0x1;
	s5 =	sadd.s32 s21, s3  }
0x9d: {  	[timem:s7], [sflag:s22] =	dma.local [hbm:s5], s20  }
0x9e: {  	_ =	swait.ge [sflag:s22], s20  }
0x9f: {  	s4 =	ssub.s32 $0x0, s20;
	[sflag:s22] =	ssyncset.done $0x0  }
0xa0: {  	[sflag:s22] =	ssyncadd.s32 s4;
	_ =	sdelay $0x1  }
0xa1: {  	s23 =	simm.s32 $0x1B8B  }
0xa2: {  	_ =	swait.ge [sflag:s23], $0x1  }
0xa3: {  	[sflag:s23] =	ssyncset.done $0x0  }
0xa4: {  	s25 =	simm.s32 $0x1B8E;
	s24 =	sld [smem:$0x3FFE];
	[sflag:s23] =	ssyncadd.s32 $0xFFFFFFFF  }
0xa5: {  	s26 =	simm.s32 $execute0_lowered;
	[smem:$0x3FD2] =	sst s25  }
0xa6: {  	s5 =	sshll.u32 s26, $0x1;
	_ =	strace $0x80000046;
	[dreg:$0x1] =	wrdreg $0xFFFFFFFF  }
0xa7: {  	s28 =	simm.s32 $_size_execute0_lowered;
	s3 =	sadd.s32 s3, s5;
	[dreg:$0x0] =	wrdreg $0x0  }
0xa8: {  	s5 =	sshll.u32 s28, $0x1;
	[dreg:$0x2] =	wrdreg s3  }
0xa9: {  	[dreg:$0x3] =	wrdreg s5  }
0xaa: {  	[dreg:$0x4] =	wrdreg $0xC0  }
0xab: {  	_ =	task [dreg:s7], $0x5FFFF  }
0xac: {  	[dreg:$0x1] =	wrdreg $0xFFFFFFFF  }
0xad: {  	[dreg:$0x0] =	wrdreg $0x60  }
0xae: {  	[dreg:$0x2] =	wrdreg s2  }
0xaf: {  	[dreg:$0x3] =	wrdreg s24  }
0xb0: {  	[dreg:$0x4] =	wrdreg $0x9  }
0xb1: {  	_ =	task.clear_ibuf [dreg:s7], $0x5FFFF;
	_ =	strace $0x90000046  }
0xb2: {  	s29 =	simm.s32 $0x9;
	_ =	strace $0x80000048  }
0xb3: {  	_ =	swait.ge [sflag:s29], $0x1  }
0xb4: {  	[sflag:s29] =	ssyncadd.s32 $0xFFFFFFFF  }
0xb5: {  	_ =	strace $0x90000048  }
0xb6: {  	_ =	sfence  }
0xb7: {  	s30 =	sld [smem:$0x0];
	_ =	sdelay $0x2  }
0xb8: {  	s31 =	sshll.u32 s1, $0xD;
	s1 =	sshrl.u32 s1, $0x2  }
0xb9: {  	s3 =	sand.u32 $0x4000, s31;
	s1 =	sadd.s32 s1, s30  }
0xba: {  	s0 =	sor.u32 s3, s0;
	s1 =	sshll.u32 s1, $0x11  }
0xbb: {  	s0 =	sor.u32 s1, s0  }
0xbc: {  	s0 =	sadd.s32 $0x8F2B, s0  }
0xbd: {  	[sflag:s0] =	ssyncadd.remote.s32 $0x1  }
0xbe: {  	_ =	sfence.sel $0xFFFF  }
0xbf: {  	[dreg:$0x0] =	wrdreg $0xFFFFFFFF;
	(pc) =	sbr.abs _section_cstart, $3  }
0xc0: {  	[dreg:$0x1] =	wrdreg $0xFFFFFFFF  }
0xc1: {  	_ =	task.clear_ibuf [dreg:s7], $0x2FFFF;
	_ =	strace $0x9FFFFFFF  }
0xc2: {  	(tm) =	ssettm $0x7FFFFFFF  }
0xc3: {  	_ =	shalt  }
tec
execute0_lowered:
.L_overlay_start_1:
0x0: {  	(tag) =	ssettag $0x1  }
0x1: {  	v0 =	vimm.s32 $0x1780;
	vm0 =	vcmask $0x300  }
0x2: {  	vm14 =	vcmask $0x704;
	v0 =	vsel vm0, $0x0, v0  }
0x3: {  	vm15 =	vcmask $0xB08;
	v0 =	vsel vm14, $0x80, v0  }
0x4: {  	vm4 =	vcmask $0xF0C;
	v0 =	vsel vm15, $0x100, v0  }
0x5: {  	vm5 =	vcmask $0x1310;
	v0 =	vsel vm4, $0x180, v0  }
0x6: {  	vm6 =	vcmask $0x1714;
	v0 =	vsel vm5, $0x200, v0  }
0x7: {  	vm7 =	vcmask $0x1B18;
	v0 =	vsel vm6, $0x280, v0  }
0x8: {  	s1 =	rddreg [dreg:$0x0];
	vm8 =	vcmask $0x1F1C;
	v0 =	vsel vm7, $0x300, v0  }
0x9: {  	s3 =	rddreg [dreg:$0x1];
	vm9 =	vcmask $0x2320;
	v0 =	vsel vm8, $0x380, v0  }
0xa: {  	s0 =	rddreg [dreg:$0x2];
	vm10 =	vcmask $0x2724;
	v0 =	vsel vm9, $0x1400, v0  }
0xb: {  	s2 =	simm.s32 $0x0;
	s4 =	srdreg.scid;
	vm11 =	vcmask $0x2B28;
	s8 =	simm.s32 $0x1;
	v0 =	vsel vm10, $0x1480, v0  }
0xc: {  	vm12 =	vcmask $0x2F2C;
	s9 =	simm.s32 $0x2800;
	s10 =	simm.s32 $0x0;
	s5 =	sand.u32 $0x1, s4;
	v0 =	vsel vm11, $0x1500, v0  }
0xd: {  	vm13 =	vcmask $0x3330;
	[smem:$0x7FF] =	sst s2;
	s4 =	sadd.s32 $0xE00, s3;
	s6 =	ssub.s32 $0x2, s5;
	v1 =	vsel vm12, $0x1580, v0  }
0xe: {  	v2 =	vlaneseq.u32;
	s3 =	stileid.u32;
	_ =	strace $0x80000047;
	vm14 =	vcmask $0x3734;
	s7 =	sshrl.u32 s6, $0x1;
	v1 =	vsel vm13, $0x1600, v1  }
0xf: {  	v3 =	vimm.s32 $0x1;
	s31 =	sshll.u32 s3, $0x6;
	s5 =	sshll.u32 s5, $0x5;
	vm15 =	vcmask $0x3B38;
	s6 =	ssub.s32 s6, s7;
	v1 =	vsel vm14, $0x1680, v1  }
0x10: {  	v2 =	vor.u32 $0x400, v2;
	s5 =	sor.u32 s5, s31;
	s7 =	simm.s32 $0x1400;
	s6 =	smax.u32 s6, $0x1;
	v0 =	vimm.s32 $0x0;
	v1 =	vsel vm15, $0x1700, v1  }
.LBB2_1:
0x11: {  	s11 =	simm.s32 $0x0  }
.LBB2_2:
0x12: {  	s12 =	sadd.s32 s5, s11  }
0x13: {  	s13 =	sshll.u32 s12, $0xA  }
0x14: {  	s14 =	simm.s32 $0x0;
	s13 =	sadd.s32 s1, s13  }
0x15: {  	[tilespmem:s14], [sflag:$0x1] =	stream.linear.gather [hbm4b:s13+s14], $0x1000, $0x38;
	[tilespmem:$0x3000] =	vst v63  }
0x16: {  	s13 =	sadd.s32 $0x200, s13  }
0x17: {  	[tilespmem:s7], [sflag:$0x1] =	stream.linear.gather [hbm4b:s13+s14], $0x1000, $0x38;
	[tilespmem:$0x3000] =	vst v63  }
0x18: {  	_ =	swait.ge [sflag:s8], $0x2000  }
0x19: {  	[sflag:s8] =	ssyncset.done $0x0  }
0x1a: {  	s13 =	simm.s32 $0x0;
	s14 =	simm.s32 $0x200;
	[sflag:s8] =	ssyncadd.s32 $0xFFFFE000  }
.LBB2_3:
0x1b: {  	p0 =	sne.s32 s14, $0x1E00;
	[tilespmem:s13+$0x2870] =	vst v0  }
0x1c: {  	[tilespmem:s13+$0x2800] =	vst v0  }
0x1d: {  	[tilespmem:s13+$0x2810] =	vst v0  }
.Ltmp0:
0x1e: {  	[tilespmem:s13+$0x2820] =	vst v0;
	(pc) =	sbr.rel @p0 .LBB2_3-.Ltmp0, $4  }
0x1f: {  	[tilespmem:s13+$0x2830] =	vst v0  }
0x20: {  	[tilespmem:s13+$0x2840] =	vst v0  }
0x21: {  	[tilespmem:s13+$0x2850] =	vst v0  }
0x22: {  	[tilespmem:s13+$0x2860] =	vst v0;
	s13 =	sshra.s32 s14, $0x2;
	s14 =	sadd.s32 $0x200, s14  }
0x23: {  	s14 =	simm.s32 $0x0  }
0x24: {  	v4 =	vmov s14  }
0x25: {  	[tilespmem:s13+$0x2870] =	vst v0;
	v5 =	vshll.u32 v4, $0x3  }
0x26: {  	[tilespmem:s13+$0x2800] =	vst v0;
	v4 =	vand.u32 $0x78, v4;
	v5 =	vand.u32 $0xC00, v5  }
0x27: {  	[tilespmem:s13+$0x2810] =	vst v0;
	v4 =	vor.u32 v4, v5  }
0x28: {  	[tilespmem:s13+$0x2820] =	vst v0;
	v4 =	vadd.s32 v1, v4  }
0x29: {  	[tilespmem:s13+$0x2830] =	vst v0  }
0x2a: {  	[tilespmem:s13+$0x2840] =	vst v0  }
0x2b: {  	[tilespmem:s13+$0x2850] =	vst v0  }
0x2c: {  	[tilespmem:s13+$0x2860] =	vst v0;
	s13 =	simm.s32 $0x0  }
0x2d: {  	v4 =	vld.idx.msk [tilespmem:v4+s13+$0x0], $0xffff;
	_ =	sdelay $0x4  }
0x2e: {  	v5 =	vshra.s32 v4, $0x1F  }
0x2f: {  	s25 =	simm.s32 $0x1;
	v5 =	vand.u32 $0x7E000000, v5  }
0x30: {  	v6 =	vmov s25;
	v4 =	vxor.u32 v4, v5  }
0x31: {  	v5 =	vshll.u32 v6, $0x3;
	v4 =	vshra.s32 v4, $0x15  }
0x32: {  	v6 =	vand.u32 $0x79, v6;
	v5 =	vand.u32 $0xC00, v5;
	v4 =	vand.u32 $0xFFFFFFF0, v4  }
0x33: {  	v5 =	vor.u32 v6, v5;
	v4 =	vadd.s32 v2, v4  }
0x34: {  	v5 =	vadd.s32 v1, v5;
	_ =	sdelay $0x3  }
0x35: {  	[tilespmem:v4+s9+$0x0] =	vst.idx.add.s32.msk $0xffff, v3  }
0x36: {  	v4 =	vld.idx.msk [tilespmem:v5+s13+$0x0], $0xffff;
	_ =	sdelay $0x1  }
0x37: {  	s15 =	simm.s32 $0x8  }
0x38: {  	v6 =	vmov s15  }
0x39: {  	v9 =	vshll.u32 v6, $0x3  }
0x3a: {  	v6 =	vand.u32 $0x78, v6;
	v9 =	vand.u32 $0xC00, v9;
	v7 =	vshra.s32 v4, $0x1F  }
0x3b: {  	s26 =	simm.s32 $0x2;
	v6 =	vor.u32 v6, v9;
	v7 =	vand.u32 $0x7E000000, v7  }
0x3c: {  	v6 =	vadd.s32 v1, v6;
	v5 =	vmov s26;
	v4 =	vxor.u32 v4, v7  }
0x3d: {  	v8 =	vand.u32 $0x7A, v5;
	v5 =	vshll.u32 v5, $0x3;
	v4 =	vshra.s32 v4, $0x15  }
0x3e: {  	v5 =	vand.u32 $0xC00, v5;
	v4 =	vand.u32 $0xFFFFFFF0, v4  }
0x3f: {  	v5 =	vor.u32 v8, v5;
	v4 =	vadd.s32 v2, v4  }
0x40: {  	v5 =	vadd.s32 v1, v5;
	_ =	sdelay $0x1  }
0x41: {  	v6 =	vld.idx.msk [tilespmem:v6+s13+$0x0], $0xffff;
	_ =	sdelay $0x1  }
0x42: {  	[tilespmem:v4+s9+$0x0] =	vst.idx.add.s32.msk $0xffff, v3  }
0x43: {  	v4 =	vld.idx.msk [tilespmem:v5+s13+$0x0], $0xffff;
	_ =	sdelay $0x1  }
0x44: {  	s29 =	simm.s32 $0x3;
	v8 =	vshra.s32 v6, $0x1F  }
0x45: {  	v7 =	vmov s29;
	v8 =	vand.u32 $0x7E000000, v8  }
0x46: {  	s28 =	simm.s32 $0x9;
	v9 =	vand.u32 $0x7B, v7;
	v7 =	vshll.u32 v7, $0x3;
	v6 =	vxor.u32 v6, v8  }
0x47: {  	v6 =	vshra.s32 v6, $0x15;
	v5 =	vmov s28;
	v8 =	vshra.s32 v4, $0x1F  }
0x48: {  	v10 =	vand.u32 $0x79, v5;
	v5 =	vshll.u32 v5, $0x3;
	v8 =	vand.u32 $0x7E000000, v8  }
0x49: {  	v6 =	vand.u32 $0xFFFFFFF0, v6;
	v5 =	vand.u32 $0xC00, v5;
	v4 =	vxor.u32 v4, v8  }
0x4a: {  	v6 =	vadd.s32 v2, v6;
	v5 =	vor.u32 v10, v5;
	v4 =	vshra.s32 v4, $0x15  }
0x4b: {  	v7 =	vand.u32 $0xC00, v7;
	v5 =	vadd.s32 v1, v5;
	v4 =	vand.u32 $0xFFFFFFF0, v4  }
0x4c: {  	v7 =	vor.u32 v9, v7;
	v4 =	vadd.s32 v2, v4  }
0x4d: {  	v7 =	vadd.s32 v1, v7;
	_ =	sdelay $0x1  }
0x4e: {  	[tilespmem:v6+s9+$0x0] =	vst.idx.add.s32.msk $0xffff, v3  }
0x4f: {  	v5 =	vld.idx.msk [tilespmem:v5+s13+$0x0], $0xffff  }
0x50: {  	s30 =	simm.s32 $0xA;
	[tilespmem:v4+s9+$0x0] =	vst.idx.add.s32.msk $0xffff, v3  }
0x51: {  	s16 =	simm.s32 $0x10;
	v6 =	vmov s30;
	v4 =	vld.idx.msk [tilespmem:v7+s13+$0x0], $0xffff  }
0x52: {  	v9 =	vand.u32 $0x7A, v6;
	v8 =	vmov s16  }
0x53: {  	v6 =	vshll.u32 v6, $0x3;
	v11 =	vand.u32 $0x78, v8;
	v8 =	vshll.u32 v8, $0x3  }
0x54: {  	v6 =	vand.u32 $0xC00, v6;
	v8 =	vand.u32 $0xC00, v8;
	v12 =	vshra.s32 v5, $0x1F  }
0x55: {  	v6 =	vor.u32 v9, v6;
	v8 =	vor.u32 v11, v8;
	v12 =	vand.u32 $0x7E000000, v12  }
0x56: {  	s31 =	simm.s32 $0x4;
	v8 =	vadd.s32 v1, v8;
	v5 =	vxor.u32 v5, v12;
	v12 =	vshra.s32 v4, $0x1F  }
0x57: {  	v7 =	vmov s31;
	v5 =	vshra.s32 v5, $0x15;
	v11 =	vand.u32 $0x7E000000, v12  }
0x58: {  	v10 =	vand.u32 $0x7C, v7;
	v5 =	vand.u32 $0xFFFFFFF0, v5;
	v4 =	vxor.u32 v4, v11  }
0x59: {  	v7 =	vshll.u32 v7, $0x3;
	v5 =	vadd.s32 v2, v5;
	v4 =	vshra.s32 v4, $0x15  }
0x5a: {  	v6 =	vadd.s32 v1, v6;
	v7 =	vand.u32 $0xC00, v7;
	v4 =	vand.u32 $0xFFFFFFF0, v4  }
0x5b: {  	v8 =	vld.idx.msk [tilespmem:v8+s13+$0x0], $0xffff;
	v7 =	vor.u32 v10, v7;
	v4 =	vadd.s32 v2, v4  }
0x5c: {  	v7 =	vadd.s32 v1, v7;
	_ =	sdelay $0x1  }
0x5d: {  	s17 =	simm.s32 $0xB;
	[tilespmem:v5+s9+$0x0] =	vst.idx.add.s32.msk $0xffff, v3  }
0x5e: {  	v9 =	vmov s17;
	v5 =	vld.idx.msk [tilespmem:v6+s13+$0x0], $0xffff  }
0x5f: {  	v10 =	vand.u32 $0x7B, v9;
	v9 =	vshll.u32 v9, $0x3;
	v13 =	vshra.s32 v8, $0x1F;
	[tilespmem:v4+s9+$0x0] =	vst.idx.add.s32.msk $0xffff, v3  }
0x60: {  	s16 =	simm.s32 $0x11;
	v9 =	vand.u32 $0xC00, v9;
	v13 =	vand.u32 $0x7E000000, v13;
	v7 =	vld.idx.msk [tilespmem:v7+s13+$0x0], $0xffff  }
0x61: {  	v9 =	vor.u32 v10, v9;
	v8 =	vxor.u32 v8, v13;
	v6 =	vmov s16  }
0x62: {  	v8 =	vshra.s32 v8, $0x15;
	v12 =	vand.u32 $0x79, v6;
	v6 =	vshll.u32 v6, $0x3  }
0x63: {  	v8 =	vand.u32 $0xFFFFFFF0, v8;
	v6 =	vand.u32 $0xC00, v6;
	v13 =	vshra.s32 v5, $0x1F  }
0x64: {  	v8 =	vadd.s32 v2, v8;
	v6 =	vor.u32 v12, v6;
	v12 =	vand.u32 $0x7E000000, v13  }
0x65: {  	s18 =	simm.s32 $0x5;
	v6 =	vadd.s32 v1, v6;
	v5 =	vxor.u32 v5, v12;
	v12 =	vshra.s32 v7, $0x1F  }
0x66: {  	v4 =	vmov s18;
	v5 =	vshra.s32 v5, $0x15;
	v12 =	vand.u32 $0x7E000000, v12  }
0x67: {  	v11 =	vand.u32 $0x7D, v4;
	v5 =	vand.u32 $0xFFFFFFF0, v5;
	v7 =	vxor.u32 v7, v12  }
0x68: {  	v4 =	vshll.u32 v4, $0x3;
	v5 =	vadd.s32 v2, v5;
	v7 =	vshra.s32 v7, $0x15  }
0x69: {  	v9 =	vadd.s32 v1, v9;
	v4 =	vand.u32 $0xC00, v4;
	v7 =	vand.u32 $0xFFFFFFF0, v7  }
0x6a: {  	s20 =	simm.s32 $0x12;
	v4 =	vor.u32 v11, v4;
	v7 =	vadd.s32 v2, v7  }
0x6b: {  	v10 =	vmov s20;
	[tilespmem:v8+s9+$0x0] =	vst.idx.add.s32.msk $0xffff, v3;
	v4 =	vadd.s32 v1, v4  }
0x6c: {  	v13 =	vand.u32 $0x7A, v10;
	v10 =	vshll.u32 v10, $0x3;
	v6 =	vld.idx.msk [tilespmem:v6+s13+$0x0], $0xffff  }
0x6d: {  	s19 =	simm.s32 $0x6;
	v10 =	vand.u32 $0xC00, v10;
	[tilespmem:v5+s9+$0x0] =	vst.idx.add.s32.msk $0xffff, v3  }
0x6e: {  	s22 =	simm.s32 $0x18;
	v8 =	vmov s19;
	v10 =	vor.u32 v13, v10;
	v9 =	vld.idx.msk [tilespmem:v9+s13+$0x0], $0xffff  }
0x6f: {  	v11 =	vmov s22;
	v10 =	vadd.s32 v1, v10;
	v12 =	vand.u32 $0x7E, v8;
	[tilespmem:v7+s9+$0x0] =	vst.idx.add.s32.msk $0xffff, v3  }
0x70: {  	s21 =	simm.s32 $0xC;
	v8 =	vshll.u32 v8, $0x3;
	v7 =	vand.u32 $0x78, v11;
	v11 =	vshll.u32 v11, $0x3;
	v4 =	vld.idx.msk [tilespmem:v4+s13+$0x0], $0xffff  }
0x71: {  	v15 =	vshra.s32 v6, $0x1F;
	v5 =	vmov s21;
	v11 =	vand.u32 $0xC00, v11  }
0x72: {  	v14 =	vand.u32 $0x7C, v5;
	v7 =	vor.u32 v7, v11;
	v11 =	vand.u32 $0x7E000000, v15  }
0x73: {  	v5 =	vshll.u32 v5, $0x3;
	v6 =	vxor.u32 v6, v11;
	v11 =	vshra.s32 v9, $0x1F  }
0x74: {  	v7 =	vadd.s32 v1, v7;
	v6 =	vshra.s32 v6, $0x15;
	v11 =	vand.u32 $0x7E000000, v11  }
0x75: {  	v6 =	vand.u32 $0xFFFFFFF0, v6;
	v9 =	vxor.u32 v9, v11;
	v11 =	vshra.s32 v4, $0x1F  }
0x76: {  	v6 =	vadd.s32 v2, v6;
	v9 =	vshra.s32 v9, $0x15;
	v11 =	vand.u32 $0x7E000000, v11  }
0x77: {  	v5 =	vand.u32 $0xC00, v5;
	v9 =	vand.u32 $0xFFFFFFF0, v9;
	v4 =	vxor.u32 v4, v11  }
0x78: {  	v5 =	vor.u32 v14, v5;
	v9 =	vadd.s32 v2, v9;
	v4 =	vshra.s32 v4, $0x15  }
0x79: {  	s24 =	simm.s32 $0x19;
	v8 =	vand.u32 $0xC00, v8;
	v5 =	vadd.s32 v1, v5;
	v4 =	vand.u32 $0xFFFFFFF0, v4  }
0x7a: {  	s26 =	simm.s32 $0xD;
	v8 =	vor.u32 v12, v8;
	v12 =	vmov s24;
	v7 =	vld.idx.msk [tilespmem:v7+s13+$0x0], $0xffff;
	v4 =	vadd.s32 v2, v4  }
0x7b: {  	v16 =	vand.u32 $0x79, v12;
	v14 =	vmov s26;
	[tilespmem:v6+s9+$0x0] =	vst.idx.add.s32.msk $0xffff, v3;
	v6 =	vadd.s32 v1, v8  }
0x7c: {  	s25 =	simm.s32 $0x13;
	v12 =	vshll.u32 v12, $0x3;
	v15 =	vand.u32 $0x7D, v14;
	v14 =	vshll.u32 v14, $0x3;
	v10 =	vld.idx.msk [tilespmem:v10+s13+$0x0], $0xffff  }
0x7d: {  	s23 =	simm.s32 $0x7;
	v13 =	vmov s25;
	v12 =	vand.u32 $0xC00, v12;
	v14 =	vand.u32 $0xC00, v14;
	[tilespmem:v9+s9+$0x0] =	vst.idx.add.s32.msk $0xffff, v3  }
0x7e: {  	v11 =	vmov s23;
	v9 =	vand.u32 $0x7B, v13;
	v13 =	vshll.u32 v13, $0x3;
	v5 =	vld.idx.msk [tilespmem:v5+s13+$0x0], $0xffff  }
0x7f: {  	v8 =	vand.u32 $0x7F, v11;
	v13 =	vand.u32 $0xC00, v13;
	[tilespmem:v4+s9+$0x0] =	vst.idx.add.s32.msk $0xffff, v3;
	v4 =	vshra.s32 v7, $0x1F  }
0x80: {  	v11 =	vshll.u32 v11, $0x3;
	v9 =	vor.u32 v9, v13;
	v6 =	vld.idx.msk [tilespmem:v6+s13+$0x0], $0xffff;
	v4 =	vand.u32 $0x7E000000, v4  }
0x81: {  	v4 =	vxor.u32 v7, v4;
	v7 =	vor.u32 v16, v12;
	v12 =	vshra.s32 v10, $0x1F  }
0x82: {  	v4 =	vshra.s32 v4, $0x15;
	v7 =	vadd.s32 v1, v7;
	v12 =	vand.u32 $0x7E000000, v12  }
0x83: {  	v4 =	vand.u32 $0xFFFFFFF0, v4;
	v10 =	vxor.u32 v10, v12;
	v12 =	vshra.s32 v5, $0x1F  }
0x84: {  	v4 =	vadd.s32 v2, v4;
	v10 =	vshra.s32 v10, $0x15;
	v12 =	vand.u32 $0x7E000000, v12  }
0x85: {  	v10 =	vand.u32 $0xFFFFFFF0, v10;
	v5 =	vxor.u32 v5, v12;
	v12 =	vshra.s32 v6, $0x1F  }
0x86: {  	v13 =	vadd.s32 v2, v10;
	v5 =	vshra.s32 v5, $0x15;
	v10 =	vand.u32 $0x7E000000, v12  }
0x87: {  	v9 =	vadd.s32 v1, v9;
	v5 =	vand.u32 $0xFFFFFFF0, v5;
	v6 =	vxor.u32 v6, v10  }
0x88: {  	v16 =	vadd.s32 v2, v5;
	v5 =	vor.u32 v15, v14;
	v6 =	vshra.s32 v6, $0x15  }
0x89: {  	s28 =	simm.s32 $0xE;
	[tilespmem:v4+s9+$0x0] =	vst.idx.add.s32.msk $0xffff, v3;
	v17 =	vadd.s32 v1, v5;
	v4 =	vand.u32 $0xFFFFFFF0, v6;
	v5 =	vand.u32 $0xC00, v11  }
0x8a: {  	s29 =	simm.s32 $0x1A;
	s30 =	simm.s32 $0x14;
	v6 =	vmov s28;
	v10 =	vld.idx.msk [tilespmem:v7+s13+$0x0], $0xffff;
	v18 =	vadd.s32 v2, v4;
	v4 =	vor.u32 v8, v5  }
0x8b: {  	s31 =	simm.s32 $0x20;
	v11 =	vmov s30;
	v7 =	vmov s29;
	[tilespmem:v13+s9+$0x0] =	vst.idx.add.s32.msk $0xffff, v3;
	v4 =	vadd.s32 v1, v4  }
0x8c: {  	v5 =	vand.u32 $0x7E, v6;
	v6 =	vshll.u32 v6, $0x3;
	v13 =	vmov s31;
	v8 =	vld.idx.msk [tilespmem:v9+s13+$0x0], $0xffff  }
0x8d: {  	s14 =	simm.s32 $0x0;
	s15 =	simm.s32 $0x0;
	v12 =	vand.u32 $0x7A, v7;
	v9 =	vand.u32 $0x7C, v11;
	v11 =	vshll.u32 v11, $0x3;
	[tilespmem:v16+s9+$0x0] =	vst.idx.add.s32.msk $0xffff, v3  }
0x8e: {  	s17 =	simm.s32 $0x1F;
	s20 =	simm.s32 $0xF;
	s16 =	simm.s32 $0x0;
	v14 =	vand.u32 $0x78, v13;
	v15 =	vshll.u32 v13, $0x3;
	v13 =	vshll.u32 v7, $0x3;
	v7 =	vld.idx.msk [tilespmem:v17+s13+$0x0], $0xffff  }
0x8f: {  	s19 =	simm.s32 $0x17;
	s18 =	simm.s32 $0x27;
	s21 =	simm.s32 $0x2F;
	v6 =	vand.u32 $0xC00, v6;
	v13 =	vand.u32 $0xC00, v13;
	v11 =	vand.u32 $0xC00, v11;
	[tilespmem:v18+s9+$0x0] =	vst.idx.add.s32.msk $0xffff, v3  }
.LBB2_5:
0x90: {  	p0 =	sne.s32 s21, $0x1FF;
	v15 =	vand.u32 $0xC00, v15;
	v16 =	vshra.s32 v10, $0x1F;
	v9 =	vor.u32 v9, v11;
	v4 =	vld.idx.msk [tilespmem:v4+s16+$0x0], $0xffff;
	s16 =	smov.u32 s14;
	s14 =	smov.u32 s15  }
0x91: {  	v12 =	vor.u32 v12, v13;
	s15 =	smov.u32 s13;
	v11 =	vor.u32 v14, v15;
	v14 =	vand.u32 $0x7E000000, v16  }
0x92: {  	v12 =	vadd.s32 v1, v12;
	v13 =	vshra.s32 v8, $0x1F;
	v10 =	vxor.u32 v10, v14  }
0x93: {  	v11 =	vadd.s32 v1, v11;
	v13 =	vand.u32 $0x7E000000, v13;
	v10 =	vshra.s32 v10, $0x15  }
0x94: {  	v8 =	vxor.u32 v8, v13;
	v13 =	vshra.s32 v7, $0x1F;
	v10 =	vand.u32 $0xFFFFFFF0, v10  }
0x95: {  	v8 =	vshra.s32 v8, $0x15;
	v13 =	vand.u32 $0x7E000000, v13;
	v10 =	vadd.s32 v2, v10  }
0x96: {  	v8 =	vand.u32 $0xFFFFFFF0, v8;
	v7 =	vxor.u32 v7, v13;
	v13 =	vshra.s32 v4, $0x1F  }
0x97: {  	v8 =	vadd.s32 v2, v8;
	v7 =	vshra.s32 v7, $0x15;
	v13 =	vand.u32 $0x7E000000, v13  }
0x98: {  	v9 =	vadd.s32 v1, v9;
	v7 =	vand.u32 $0xFFFFFFF0, v7;
	v4 =	vxor.u32 v4, v13  }
0x99: {  	v5 =	vor.u32 v5, v6;
	v7 =	vadd.s32 v2, v7;
	v4 =	vshra.s32 v4, $0x15;
	v11 =	vld.idx.msk [tilespmem:v11+s13+$0x0], $0xffff  }
0x9a: {  	v6 =	vmov s20;
	s20 =	smov.u32 s19;
	s19 =	smov.u32 s17;
	s17 =	smov.u32 s18;
	v5 =	vadd.s32 v1, v5;
	v4 =	vand.u32 $0xFFFFFFF0, v4;
	[tilespmem:v10+s9+$0x0] =	vst.idx.add.s32.msk $0xffff, v3  }
0x9b: {  	s18 =	sadd.s32 $0xFFFFFFFA, s17;
	s22 =	sadd.s32 $0xFFFFFFFC, s19;
	s23 =	sadd.s32 $0xFFFFFFFE, s20;
	v4 =	vadd.s32 v2, v4;
	v10 =	vld.idx.msk [tilespmem:v12+s15+$0x0], $0xffff;
	v12 =	vand.u32 $0x7F, v6;
	v6 =	vshll.u32 v6, $0x3  }
0x9c: {  	v14 =	vmov s22;
	v13 =	vmov s18;
	s18 =	smov.u32 s21;
	[tilespmem:v8+s9+$0x0] =	vst.idx.add.s32.msk $0xffff, v3;
	v8 =	vmov s23  }
0x9d: {  	v15 =	vand.u32 $0x7B, v14;
	v9 =	vld.idx.msk [tilespmem:v9+s14+$0x0], $0xffff;
	v16 =	vand.u32 $0x7D, v8;
	v8 =	vshll.u32 v8, $0x3  }
0x9e: {  	v14 =	vshll.u32 v14, $0x3;
	v17 =	vand.u32 $0x79, v13;
	v13 =	vshll.u32 v13, $0x3;
	[tilespmem:v7+s9+$0x0] =	vst.idx.add.s32.msk $0xffff, v3  }
0x9f: {  	v14 =	vand.u32 $0xC00, v14;
	v7 =	vshra.s32 v11, $0x1F;
	v8 =	vand.u32 $0xC00, v8;
	v5 =	vld.idx.msk [tilespmem:v5+s16+$0x0], $0xffff  }
0xa0: {  	v14 =	vor.u32 v15, v14;
	v13 =	vand.u32 $0xC00, v13;
	v7 =	vand.u32 $0x7E000000, v7;
	[tilespmem:v4+s9+$0x0] =	vst.idx.add.s32.msk $0xffff, v3  }
0xa1: {  	v4 =	vxor.u32 v11, v7;
	v7 =	vor.u32 v17, v13;
	v11 =	vshra.s32 v10, $0x1F  }
0xa2: {  	v4 =	vshra.s32 v4, $0x15;
	v7 =	vadd.s32 v1, v7;
	v11 =	vand.u32 $0x7E000000, v11  }
0xa3: {  	v4 =	vand.u32 $0xFFFFFFF0, v4;
	v10 =	vxor.u32 v10, v11;
	v11 =	vshra.s32 v9, $0x1F  }
0xa4: {  	v4 =	vadd.s32 v2, v4;
	v10 =	vshra.s32 v10, $0x15;
	v11 =	vand.u32 $0x7E000000, v11  }
0xa5: {  	v10 =	vand.u32 $0xFFFFFFF0, v10;
	v9 =	vxor.u32 v9, v11;
	v11 =	vshra.s32 v5, $0x1F  }
0xa6: {  	v13 =	vadd.s32 v2, v10;
	v9 =	vshra.s32 v9, $0x15;
	v10 =	vand.u32 $0x7E000000, v11  }
0xa7: {  	v11 =	vadd.s32 v1, v14;
	v9 =	vand.u32 $0xFFFFFFF0, v9;
	v5 =	vxor.u32 v5, v10  }
0xa8: {  	v8 =	vor.u32 v16, v8;
	v14 =	vadd.s32 v2, v9;
	v5 =	vshra.s32 v5, $0x15  }
0xa9: {  	s22 =	sadd.s32 $0xFFFFFFFF, s20;
	v16 =	vadd.s32 v1, v8;
	[tilespmem:v4+s9+$0x0] =	vst.idx.add.s32.msk $0xffff, v3;
	v4 =	vand.u32 $0xFFFFFFF0, v5;
	v5 =	vand.u32 $0xC00, v6  }
0xaa: {  	s24 =	sadd.s32 $0xFFFFFFFD, s19;
	s23 =	sadd.s32 $0xFFFFFFFB, s17;
	v6 =	vmov s22;
	v10 =	vld.idx.msk [tilespmem:v7+s13+$0x0], $0xffff;
	v17 =	vadd.s32 v2, v4;
	v4 =	vor.u32 v12, v5  }
.Ltmp1:
0xab: {  	s22 =	sadd.s32 $0xFFFFFFF9, s21;
	v7 =	vmov s23;
	[tilespmem:v13+s9+$0x0] =	vst.idx.add.s32.msk $0xffff, v3;
	v13 =	vmov s24;
	v4 =	vadd.s32 v1, v4;
	(pc) =	sbr.rel @p0 .LBB2_5-.Ltmp1, $4  }
0xac: {  	v15 =	vmov s22;
	v5 =	vand.u32 $0x7E, v6;
	v6 =	vshll.u32 v6, $0x3;
	v8 =	vld.idx.msk [tilespmem:v11+s15+$0x0], $0xffff  }
0xad: {  	v12 =	vand.u32 $0x7A, v7;
	v9 =	vand.u32 $0x7C, v13;
	v11 =	vshll.u32 v13, $0x3;
	[tilespmem:v14+s9+$0x0] =	vst.idx.add.s32.msk $0xffff, v3  }
0xae: {  	v13 =	vshll.u32 v7, $0x3;
	v14 =	vand.u32 $0x78, v15;
	v15 =	vshll.u32 v15, $0x3;
	v7 =	vld.idx.msk [tilespmem:v16+s14+$0x0], $0xffff  }
0xaf: {  	s21 =	sadd.s32 $0x8, s21;
	v6 =	vand.u32 $0xC00, v6;
	v13 =	vand.u32 $0xC00, v13;
	v11 =	vand.u32 $0xC00, v11;
	[tilespmem:v17+s9+$0x0] =	vst.idx.add.s32.msk $0xffff, v3  }
0xb0: {  	v15 =	vand.u32 $0xC00, v15  }
0xb1: {  	v14 =	vor.u32 v14, v15  }
0xb2: {  	v14 =	vadd.s32 v1, v14;
	_ =	sdelay $0x3  }
0xb3: {  	s21 =	simm.s32 $0x0  }
0xb4: {  	v14 =	vld.idx.msk [tilespmem:v14+s21+$0x0], $0xffff;
	_ =	sdelay $0x4  }
0xb5: {  	v62 =	vshra.s32 v14, $0x1F  }
0xb6: {  	s22 =	sadd.s32 $0xFFFFFFFA, s18;
	v15 =	vand.u32 $0x7E000000, v62  }
0xb7: {  	v16 =	vmov s22;
	v14 =	vxor.u32 v14, v15  }
0xb8: {  	v63 =	vshll.u32 v16, $0x3;
	v14 =	vshra.s32 v14, $0x15  }
0xb9: {  	v16 =	vand.u32 $0x79, v16;
	v15 =	vand.u32 $0xC00, v63;
	v14 =	vand.u32 $0xFFFFFFF0, v14  }
0xba: {  	v15 =	vor.u32 v16, v15;
	v14 =	vadd.s32 v2, v14  }
0xbb: {  	v15 =	vadd.s32 v1, v15;
	_ =	sdelay $0x3  }
0xbc: {  	[tilespmem:v14+s9+$0x0] =	vst.idx.add.s32.msk $0xffff, v3  }
0xbd: {  	v14 =	vld.idx.msk [tilespmem:v15+s21+$0x0], $0xffff  }
0xbe: {  	v19 =	vshra.s32 v10, $0x1F  }
0xbf: {  	v15 =	vand.u32 $0x7E000000, v19  }
0xc0: {  	v10 =	vxor.u32 v10, v15  }
0xc1: {  	v10 =	vshra.s32 v10, $0x15  }
0xc2: {  	v10 =	vand.u32 $0xFFFFFFF0, v10;
	v20 =	vshra.s32 v14, $0x1F  }
0xc3: {  	v12 =	vor.u32 v12, v13;
	s29 =	sadd.s32 $0xFFFFFFFB, s18;
	v10 =	vadd.s32 v2, v10;
	v21 =	vand.u32 $0x7E000000, v20  }
0xc4: {  	v12 =	vadd.s32 v1, v12;
	v22 =	vmov s29;
	v13 =	vxor.u32 v14, v21  }
0xc5: {  	v23 =	vshll.u32 v22, $0x3;
	v13 =	vshra.s32 v13, $0x15  }
0xc6: {  	v15 =	vand.u32 $0x7A, v22;
	v14 =	vand.u32 $0xC00, v23;
	v13 =	vand.u32 $0xFFFFFFF0, v13  }
0xc7: {  	v14 =	vor.u32 v15, v14;
	v13 =	vadd.s32 v2, v13  }
0xc8: {  	[tilespmem:v10+s9+$0x0] =	vst.idx.add.s32.msk $0xffff, v3;
	v10 =	vadd.s32 v1, v14  }
0xc9: {  	v12 =	vld.idx.msk [tilespmem:v12+s13+$0x0], $0xffff;
	_ =	sdelay $0x2  }
0xca: {  	[tilespmem:v13+s9+$0x0] =	vst.idx.add.s32.msk $0xffff, v3  }
0xcb: {  	v10 =	vld.idx.msk [tilespmem:v10+s21+$0x0], $0xffff  }
0xcc: {  	v24 =	vshra.s32 v12, $0x1F  }
0xcd: {  	s30 =	sadd.s32 $0xFFFFFFFC, s17;
	v13 =	vand.u32 $0x7E000000, v24  }
0xce: {  	v25 =	vmov s30;
	v12 =	vxor.u32 v12, v13  }
0xcf: {  	v26 =	vand.u32 $0x7B, v25;
	v14 =	vshll.u32 v25, $0x3;
	v12 =	vshra.s32 v12, $0x15  }
0xd0: {  	v14 =	vand.u32 $0xC00, v14;
	v12 =	vand.u32 $0xFFFFFFF0, v12;
	v27 =	vshra.s32 v10, $0x1F  }
0xd1: {  	s31 =	sadd.s32 $0xFFFFFFFC, s18;
	v13 =	vor.u32 v26, v14;
	v12 =	vadd.s32 v2, v12;
	v28 =	vand.u32 $0x7E000000, v27  }
0xd2: {  	v29 =	vmov s31;
	v13 =	vadd.s32 v1, v13;
	v10 =	vxor.u32 v10, v28  }
0xd3: {  	v30 =	vshll.u32 v29, $0x3;
	v10 =	vshra.s32 v10, $0x15  }
0xd4: {  	v15 =	vand.u32 $0x7B, v29;
	v14 =	vand.u32 $0xC00, v30;
	v10 =	vand.u32 $0xFFFFFFF0, v10  }
0xd5: {  	v14 =	vor.u32 v15, v14;
	v10 =	vadd.s32 v2, v10  }
0xd6: {  	v31 =	vadd.s32 v1, v14;
	[tilespmem:v12+s9+$0x0] =	vst.idx.add.s32.msk $0xffff, v3  }
0xd7: {  	v13 =	vld.idx.msk [tilespmem:v13+s13+$0x0], $0xffff  }
0xd8: {  	v32 =	vshra.s32 v8, $0x1F  }
0xd9: {  	v14 =	vand.u32 $0x7E000000, v32  }
0xda: {  	v8 =	vxor.u32 v8, v14;
	[tilespmem:v10+s9+$0x0] =	vst.idx.add.s32.msk $0xffff, v3  }
0xdb: {  	v8 =	vshra.s32 v8, $0x15;
	v10 =	vld.idx.msk [tilespmem:v31+s21+$0x0], $0xffff  }
0xdc: {  	v8 =	vand.u32 $0xFFFFFFF0, v8;
	v33 =	vshra.s32 v13, $0x1F  }
0xdd: {  	v9 =	vor.u32 v9, v11;
	s23 =	sadd.s32 $0xFFFFFFFD, s17;
	v8 =	vadd.s32 v2, v8;
	v11 =	vand.u32 $0x7E000000, v33  }
0xde: {  	v9 =	vadd.s32 v1, v9;
	v34 =	vmov s23;
	v11 =	vxor.u32 v13, v11  }
0xdf: {  	v35 =	vand.u32 $0x7C, v34;
	v12 =	vshll.u32 v34, $0x3;
	v11 =	vshra.s32 v11, $0x15  }
0xe0: {  	v12 =	vand.u32 $0xC00, v12;
	v11 =	vand.u32 $0xFFFFFFF0, v11;
	v36 =	vshra.s32 v10, $0x1F  }
0xe1: {  	s24 =	sadd.s32 $0xFFFFFFFD, s18;
	v12 =	vor.u32 v35, v12;
	v11 =	vadd.s32 v2, v11;
	v37 =	vand.u32 $0x7E000000, v36  }
0xe2: {  	v38 =	vmov s24;
	[tilespmem:v8+s9+$0x0] =	vst.idx.add.s32.msk $0xffff, v3;
	v8 =	vadd.s32 v1, v12;
	v10 =	vxor.u32 v10, v37  }
0xe3: {  	v39 =	vshll.u32 v38, $0x3;
	v9 =	vld.idx.msk [tilespmem:v9+s15+$0x0], $0xffff;
	v10 =	vshra.s32 v10, $0x15  }
0xe4: {  	v12 =	vand.u32 $0x7C, v38;
	v13 =	vand.u32 $0xC00, v39;
	v10 =	vand.u32 $0xFFFFFFF0, v10  }
0xe5: {  	v12 =	vor.u32 v12, v13;
	v10 =	vadd.s32 v2, v10  }
0xe6: {  	[tilespmem:v11+s9+$0x0] =	vst.idx.add.s32.msk $0xffff, v3;
	v11 =	vadd.s32 v1, v12  }
0xe7: {  	v8 =	vld.idx.msk [tilespmem:v8+s13+$0x0], $0xffff  }
0xe8: {  	s25 =	sadd.s32 $0xFFFFFFFE, s19;
	v40 =	vshra.s32 v9, $0x1F  }
0xe9: {  	v42 =	vmov s25;
	v12 =	vand.u32 $0x7E000000, v40  }
0xea: {  	s26 =	sadd.s32 $0xFFFFFFFE, s17;
	v43 =	vshll.u32 v42, $0x3;
	v9 =	vxor.u32 v9, v12;
	[tilespmem:v10+s9+$0x0] =	vst.idx.add.s32.msk $0xffff, v3  }
0xeb: {  	v46 =	vmov s26;
	v12 =	vand.u32 $0xC00, v43;
	v9 =	vshra.s32 v9, $0x15;
	v11 =	vld.idx.msk [tilespmem:v11+s21+$0x0], $0xffff  }
0xec: {  	v9 =	vand.u32 $0xFFFFFFF0, v9;
	v10 =	vand.u32 $0x7D, v42;
	v44 =	vshra.s32 v8, $0x1F  }
0xed: {  	s28 =	sadd.s32 $0xFFFFFFFE, s18;
	v9 =	vadd.s32 v2, v9;
	v10 =	vor.u32 v10, v12;
	v45 =	vand.u32 $0x7E000000, v44  }
0xee: {  	v50 =	vmov s28;
	v10 =	vadd.s32 v1, v10;
	v8 =	vxor.u32 v8, v45  }
0xef: {  	v47 =	vand.u32 $0x7D, v46;
	v14 =	vshll.u32 v46, $0x3;
	v8 =	vshra.s32 v8, $0x15  }
0xf0: {  	v14 =	vand.u32 $0xC00, v14;
	v8 =	vand.u32 $0xFFFFFFF0, v8;
	v48 =	vshra.s32 v11, $0x1F  }
0xf1: {  	v12 =	vor.u32 v47, v14;
	v8 =	vadd.s32 v2, v8;
	v49 =	vand.u32 $0x7E000000, v48  }
0xf2: {  	v41 =	vshra.s32 v7, $0x1F;
	[tilespmem:v9+s9+$0x0] =	vst.idx.add.s32.msk $0xffff, v3;
	v9 =	vadd.s32 v1, v12;
	v11 =	vxor.u32 v11, v49  }
0xf3: {  	v51 =	vshll.u32 v50, $0x3;
	v13 =	vand.u32 $0x7E000000, v41;
	v10 =	vld.idx.msk [tilespmem:v10+s15+$0x0], $0xffff;
	v11 =	vshra.s32 v11, $0x15  }
0xf4: {  	v14 =	vand.u32 $0xC00, v51;
	v12 =	vand.u32 $0x7D, v50;
	v11 =	vand.u32 $0xFFFFFFF0, v11  }
0xf5: {  	v7 =	vxor.u32 v7, v13;
	v12 =	vor.u32 v12, v14;
	v11 =	vadd.s32 v2, v11  }
0xf6: {  	v7 =	vshra.s32 v7, $0x15;
	[tilespmem:v8+s9+$0x0] =	vst.idx.add.s32.msk $0xffff, v3;
	v8 =	vadd.s32 v1, v12  }
0xf7: {  	v7 =	vand.u32 $0xFFFFFFF0, v7;
	v9 =	vld.idx.msk [tilespmem:v9+s13+$0x0], $0xffff  }
0xf8: {  	v5 =	vor.u32 v5, v6;
	v7 =	vadd.s32 v2, v7;
	v6 =	vshra.s32 v10, $0x1F  }
0xf9: {  	s29 =	sadd.s32 $0xFFFFFFFF, s19;
	v6 =	vand.u32 $0x7E000000, v6  }
0xfa: {  	v5 =	vadd.s32 v1, v5;
	v52 =	vmov s29;
	v6 =	vxor.u32 v10, v6;
	[tilespmem:v11+s9+$0x0] =	vst.idx.add.s32.msk $0xffff, v3  }
0xfb: {  	v10 =	vand.u32 $0x7E, v52;
	v6 =	vshra.s32 v6, $0x15;
	v11 =	vshll.u32 v52, $0x3;
	v8 =	vld.idx.msk [tilespmem:v8+s21+$0x0], $0xffff  }
0xfc: {  	v6 =	vand.u32 $0xFFFFFFF0, v6;
	v53 =	vshra.s32 v9, $0x1F;
	v11 =	vand.u32 $0xC00, v11  }
0xfd: {  	s30 =	sadd.s32 $0xFFFFFFFF, s17;
	[tilespmem:v7+s9+$0x0] =	vst.idx.add.s32.msk $0xffff, v3;
	v6 =	vadd.s32 v2, v6;
	v7 =	vor.u32 v10, v11;
	v10 =	vand.u32 $0x7E000000, v53  }
0xfe: {  	v11 =	vmov s30;
	v7 =	vadd.s32 v1, v7;
	v9 =	vxor.u32 v9, v10  }
0xff: {  	v10 =	vand.u32 $0x7E, v11;
	v11 =	vshll.u32 v11, $0x3;
	v9 =	vshra.s32 v9, $0x15  }
0x100: {  	v11 =	vand.u32 $0xC00, v11;
	v9 =	vand.u32 $0xFFFFFFF0, v9;
	v54 =	vshra.s32 v8, $0x1F  }
0x101: {  	s31 =	sadd.s32 $0xFFFFFFFF, s18;
	v5 =	vld.idx.msk [tilespmem:v5+s14+$0x0], $0xffff;
	v10 =	vor.u32 v10, v11;
	v9 =	vadd.s32 v2, v9;
	v11 =	vand.u32 $0x7E000000, v54  }
0x102: {  	[tilespmem:v6+s9+$0x0] =	vst.idx.add.s32.msk $0xffff, v3;
	v6 =	vadd.s32 v1, v10;
	v10 =	vmov s31;
	v8 =	vxor.u32 v8, v11  }
0x103: {  	v55 =	vshll.u32 v10, $0x3;
	v8 =	vshra.s32 v8, $0x15  }
0x104: {  	v10 =	vand.u32 $0x7E, v10;
	v7 =	vld.idx.msk [tilespmem:v7+s15+$0x0], $0xffff;
	v12 =	vand.u32 $0xC00, v55;
	v8 =	vand.u32 $0xFFFFFFF0, v8  }
0x105: {  	v61 =	vmov s18;
	v10 =	vor.u32 v10, v12;
	v8 =	vadd.s32 v2, v8  }
0x106: {  	v62 =	vshll.u32 v61, $0x3;
	v11 =	vshra.s32 v5, $0x1F;
	[tilespmem:v9+s9+$0x0] =	vst.idx.add.s32.msk $0xffff, v3;
	v9 =	vadd.s32 v1, v10  }
0x107: {  	v56 =	vmov s20;
	v63 =	vand.u32 $0xC00, v62;
	v11 =	vand.u32 $0x7E000000, v11  }
0x108: {  	v5 =	vxor.u32 v5, v11;
	v11 =	vshll.u32 v56, $0x3;
	v10 =	vand.u32 $0x7F, v56;
	v6 =	vld.idx.msk [tilespmem:v6+s13+$0x0], $0xffff  }
0x109: {  	v5 =	vshra.s32 v5, $0x15;
	v11 =	vand.u32 $0xC00, v11;
	v57 =	vshra.s32 v7, $0x1F  }
0x10a: {  	v5 =	vand.u32 $0xFFFFFFF0, v5;
	v10 =	vor.u32 v10, v11;
	v12 =	vand.u32 $0x7E000000, v57;
	[tilespmem:v8+s9+$0x0] =	vst.idx.add.s32.msk $0xffff, v3  }
0x10b: {  	v11 =	vmov s19;
	v5 =	vadd.s32 v2, v5;
	v7 =	vxor.u32 v7, v12;
	v9 =	vld.idx.msk [tilespmem:v9+s21+$0x0], $0xffff  }
0x10c: {  	v8 =	vadd.s32 v1, v10;
	v10 =	vand.u32 $0x7F, v11;
	v7 =	vshra.s32 v7, $0x15  }
0x10d: {  	v11 =	vshll.u32 v11, $0x3;
	v7 =	vand.u32 $0xFFFFFFF0, v7;
	v58 =	vshra.s32 v6, $0x1F  }
0x10e: {  	v11 =	vand.u32 $0xC00, v11;
	v7 =	vadd.s32 v2, v7;
	v12 =	vand.u32 $0x7E000000, v58  }
0x10f: {  	v10 =	vor.u32 v10, v11;
	v11 =	vmov s17;
	v6 =	vxor.u32 v6, v12  }
0x110: {  	v10 =	vadd.s32 v1, v10;
	v59 =	vand.u32 $0x7F, v11;
	v60 =	vshra.s32 v9, $0x1F  }
0x111: {  	v11 =	vshll.u32 v11, $0x3;
	v6 =	vshra.s32 v6, $0x15;
	v13 =	vand.u32 $0x7E000000, v60  }
0x112: {  	v11 =	vand.u32 $0xC00, v11;
	v6 =	vand.u32 $0xFFFFFFF0, v6;
	v9 =	vxor.u32 v9, v13  }
0x113: {  	v4 =	vld.idx.msk [tilespmem:v4+s16+$0x0], $0xffff;
	v11 =	vor.u32 v59, v11;
	v6 =	vadd.s32 v2, v6;
	v9 =	vshra.s32 v9, $0x15  }
0x114: {  	[tilespmem:v5+s9+$0x0] =	vst.idx.add.s32.msk $0xffff, v3;
	v5 =	vand.u32 $0x7F, v61;
	v11 =	vadd.s32 v1, v11;
	v9 =	vand.u32 $0xFFFFFFF0, v9  }
0x115: {  	v5 =	vor.u32 v5, v63;
	v8 =	vld.idx.msk [tilespmem:v8+s14+$0x0], $0xffff;
	v9 =	vadd.s32 v2, v9  }
0x116: {  	v5 =	vadd.s32 v1, v5;
	[tilespmem:v7+s9+$0x0] =	vst.idx.add.s32.msk $0xffff, v3  }
0x117: {  	v7 =	vld.idx.msk [tilespmem:v10+s15+$0x0], $0xffff  }
0x118: {  	[tilespmem:v6+s9+$0x0] =	vst.idx.add.s32.msk $0xffff, v3  }
0x119: {  	v6 =	vshra.s32 v4, $0x1F;
	v10 =	vld.idx.msk [tilespmem:v11+s13+$0x0], $0xffff  }
0x11a: {  	v6 =	vand.u32 $0x7E000000, v6;
	[tilespmem:v9+s9+$0x0] =	vst.idx.add.s32.msk $0xffff, v3  }
0x11b: {  	v11 =	vshra.s32 v8, $0x1F;
	v4 =	vxor.u32 v4, v6;
	v5 =	vld.idx.msk [tilespmem:v5+s21+$0x0], $0xffff  }
0x11c: {  	v6 =	vand.u32 $0x7E000000, v11;
	v4 =	vshra.s32 v4, $0x15  }
0x11d: {  	v6 =	vxor.u32 v8, v6;
	v8 =	vshra.s32 v7, $0x1F;
	v4 =	vand.u32 $0xFFFFFFF0, v4  }
0x11e: {  	v6 =	vshra.s32 v6, $0x15;
	v8 =	vand.u32 $0x7E000000, v8;
	v4 =	vadd.s32 v2, v4  }
0x11f: {  	v6 =	vand.u32 $0xFFFFFFF0, v6;
	v7 =	vxor.u32 v7, v8;
	v9 =	vshra.s32 v10, $0x1F  }
0x120: {  	v6 =	vadd.s32 v2, v6;
	v8 =	vand.u32 $0x7E000000, v9;
	v9 =	vshra.s32 v5, $0x1F  }
0x121: {  	v7 =	vshra.s32 v7, $0x15;
	v8 =	vxor.u32 v10, v8;
	v9 =	vand.u32 $0x7E000000, v9  }
0x122: {  	v7 =	vand.u32 $0xFFFFFFF0, v7;
	v8 =	vshra.s32 v8, $0x15;
	v5 =	vxor.u32 v5, v9  }
0x123: {  	v7 =	vadd.s32 v2, v7;
	v8 =	vand.u32 $0xFFFFFFF0, v8;
	v5 =	vshra.s32 v5, $0x15  }
0x124: {  	v8 =	vadd.s32 v2, v8;
	v5 =	vand.u32 $0xFFFFFFF0, v5  }
0x125: {  	v5 =	vadd.s32 v2, v5  }
0x126: {  	[tilespmem:v4+s9+$0x0] =	vst.idx.add.s32.msk $0xffff, v3  }
0x127: {  	[tilespmem:v6+s9+$0x0] =	vst.idx.add.s32.msk $0xffff, v3  }
0x128: {  	[tilespmem:v7+s9+$0x0] =	vst.idx.add.s32.msk $0xffff, v3  }
0x129: {  	[tilespmem:v8+s9+$0x0] =	vst.idx.add.s32.msk $0xffff, v3  }
0x12a: {  	s13 =	simm.s32 $0x0;
	[tilespmem:v5+s9+$0x0] =	vst.idx.add.s32.msk $0xffff, v3  }
0x12b: {  	v6 =	vld [tilespmem:s13+$0x2800]  }
0x12c: {  	p0 =	por $0x1, $0x1;
	v8 =	vld [tilespmem:s13+$0x2810]  }
.Ltmp2:
0x12d: {  	v7 =	vld [tilespmem:s13+$0x2820];
	(pc) =	sbr.rel @!p0 .LBB2_8-.Ltmp2, $4  }
0x12e: {  	v4 =	vld [tilespmem:s13+$0x2830]  }
0x12f: {  	v9 =	vimm.s32 $0x0;
	v5 =	vld [tilespmem:s13+$0x2840]  }
0x130: {  	v9 =	vadd.s32 v9, v6;
	v6 =	vld [tilespmem:s13+$0x2850]  }
0x131: {  	s14 =	simm.s32 $0x200;
	[tilespmem:s13+$0x2800] =	vst v9;
	v9 =	vadd.s32 v9, v8;
	v8 =	vld [tilespmem:s13+$0x2860]  }
.LBB2_7:
0x132: {  	s15 =	sshra.s32 s14, $0x2;
	p0 =	sne.s32 s14, $0x1E00;
	[tilespmem:s13+$0x2810] =	vst v9;
	v7 =	vadd.s32 v9, v7;
	v9 =	vld [tilespmem:s13+$0x2870]  }
0x133: {  	v10 =	vld [tilespmem:s15+$0x2800];
	[tilespmem:s13+$0x2820] =	vst v7;
	v4 =	vadd.s32 v7, v4  }
0x134: {  	v11 =	vld [tilespmem:s15+$0x2810];
	[tilespmem:s13+$0x2830] =	vst v4;
	v4 =	vadd.s32 v4, v5  }
.Ltmp3:
0x135: {  	v7 =	vld [tilespmem:s15+$0x2820];
	[tilespmem:s13+$0x2840] =	vst v4;
	v5 =	vadd.s32 v4, v6;
	(pc) =	sbr.rel @p0 .LBB2_7-.Ltmp3, $4  }
0x136: {  	v4 =	vld [tilespmem:s15+$0x2830];
	[tilespmem:s13+$0x2850] =	vst v5;
	v6 =	vadd.s32 v5, v8  }
0x137: {  	v5 =	vld [tilespmem:s15+$0x2840];
	[tilespmem:s13+$0x2860] =	vst v6;
	v8 =	vadd.s32 v6, v9  }
0x138: {  	v9 =	vadd.s32 v8, v10;
	v6 =	vld [tilespmem:s15+$0x2850];
	[tilespmem:s13+$0x2870] =	vst v8;
	s13 =	smov.u32 s15  }
0x139: {  	s14 =	sadd.s32 $0x200, s14;
	[tilespmem:s13+$0x2800] =	vst v9;
	v9 =	vadd.s32 v9, v11;
	v8 =	vld [tilespmem:s13+$0x2860]  }
.LBB2_8:
0x13a: {  	[tilespmem:s13+$0x2810] =	vst v9;
	v7 =	vadd.s32 v9, v7;
	v63 =	vld [tilespmem:s13+$0x2870]  }
0x13b: {  	[tilespmem:s13+$0x2820] =	vst v7;
	v4 =	vadd.s32 v7, v4  }
0x13c: {  	[tilespmem:s13+$0x2830] =	vst v4;
	v4 =	vadd.s32 v4, v5  }
0x13d: {  	[tilespmem:s13+$0x2840] =	vst v4;
	v4 =	vadd.s32 v4, v6  }
0x13e: {  	s11 =	sadd.s32 $0x1, s11;
	[tilespmem:s13+$0x2850] =	vst v4;
	v4 =	vadd.s32 v4, v8  }
0x13f: {  	s12 =	sshll.u32 s12, $0x8;
	p0 =	sne.s32 s11, $0x20;
	[tilespmem:s13+$0x2860] =	vst v4;
	v4 =	vadd.s32 v4, v63  }
.Ltmp4:
0x140: {  	s12 =	sadd.s32 s4, s12;
	[tilespmem:s13+$0x2870] =	vst v4;
	(pc) =	sbr.rel @p0 .LBB2_2-.Ltmp4, $4  }
0x141: {  	[hbm4b:s12+s2] =	stream.linear.scatter [tilespmem:s9], [sflag:$0x1], $0x800, $0x38;
	[tilespmem:$0x3000] =	vst v63  }
0x142: {  	_ =	swait.ge [sflag:s8], $0x800  }
0x143: {  	[sflag:s8] =	ssyncset.done $0x0  }
0x144: {  	[sflag:s8] =	ssyncadd.s32 $0xFFFFF800  }
0x145: {  	s10 =	sadd.s32 $0x1, s10  }
0x146: {  	p0 =	sne.s32 s10, s6  }
.Ltmp5:
0x147: {  	_ = 	snop;
	(pc) =	sbr.rel @p0 .LBB2_1-.Ltmp5, $1  }
0x148: {  	_ =	sdelay $0x3  }
0x149: {  	_ =	sfence.sel $0x180000  }
0x14a: {  	[bflag:$0x0] =	sbarrier.arrive $0xFFFF  }
0x14b: {  	p0 =	sne.s32 s3, $0x0;
	_ =	strace $0x90000047  }
0x14c: {  	s0 =	sadd.s32 @!p0 $0x100000, s0;
	[bflag:$0x2] =	sbarrier.arrive $0xFFFF  }
0x14d: {  	[sflag:s0] =	ssyncadd.tile.s32 @!p0 $0x1;
	_ =	shalt  }
.Lfunc_end2:
_tile_overlayer_lowered:
.L_overlay_start_2:
0x14e: {  	(tag) =	ssettag $0x2  }
0x14f: {  	s0 =	rddreg [dreg:$0x0];
	s2 =	stileid.u32  }
0x150: {  	s1 =	rddreg [dreg:$0x1];
	p0 =	sne.s32 s2, $0x0  }
0x151: {  	s3 =	rddreg [dreg:$0x2];
	[bflag:$0x3] =	sbarrier.arrive $0xFFFF;
	s2 =	simm.s32 @!p0 $0x1C01  }
0x152: {  	[timem:s3], [sflag:s2] =	dma.local @!p0 [hbm:s0], s1  }
0x153: {  	s0 =	simm.s32 @!p0 $0x1  }
0x154: {  	_ =	swait.ge @!p0 [sflag:s0], s1  }
0x155: {  	s1 =	ssub.s32 @!p0 $0x0, s1;
	[sflag:s0] =	ssyncset.done @!p0 $0x0  }
0x156: {  	[sflag:s0] =	ssyncadd.s32 @!p0 s1  }
0x157: {  	[bflag:$0x3] =	sbarrier.arrive $0xFFFF  }
0x158: {  	_ =	shalt  }

</sc_bundles>
